<compile_context>
chip_gen: v7x
topology: tpu7x:2x2x1
jax: 0.10.2.dev20260603
libtpu: 0.0.44.dev20260713+nightly
codegen_flags: <defaults>
</compile_context>

<pallas_src>
import functools

import jax
import jax.numpy as jnp
from jax import lax
from jax.experimental import pallas as pl
from jax.experimental.pallas import tpu as pltpu
from jax.experimental.pallas import tpu_sc as plsc

B = 16384
L_ROWS = 100
D = 1024
N_ENC = 5

NC = 2
NS = 16
NW = NC * NS
NCOPIES = 16
CSTRIDE = 104


def _merge_body(tids_ref, router_ref, enc_ref, out_ref):
    t = tids_ref[0]
    acc = router_ref[t, 0] * enc_ref[0]
    for k in range(1, N_ENC):
        acc += router_ref[t, k] * enc_ref[k]
    out_ref[0, pl.ds(0, L_ROWS), :] = acc


def _merge(tids, router, enc_tables):
    out = pl.pallas_call(
        _merge_body,
        grid=(NCOPIES,),
        in_specs=[
            pl.BlockSpec(memory_space=pltpu.SMEM),
            pl.BlockSpec(memory_space=pltpu.SMEM),
            pl.BlockSpec((N_ENC, L_ROWS, D), lambda j: (0, 0, 0)),
        ],
        out_specs=pl.BlockSpec((1, CSTRIDE, D), lambda j: (j, 0, 0)),
        out_shape=jax.ShapeDtypeStruct((NCOPIES, CSTRIDE, D), jnp.float32),
    )(tids, router, enc_tables)
    return out.reshape(NCOPIES * CSTRIDE, D)


SPLITS = (104, 104, 104, 104, 96)


@functools.cache
def _make_sc_gather():
    b_per_w = B // NW
    mesh = plsc.VectorSubcoreMesh(
        core_axis_name="c", subcore_axis_name="s", num_cores=NC, num_subcores=NS
    )

    @functools.partial(
        pl.kernel,
        out_type=jax.ShapeDtypeStruct((B, D), jnp.float32),
        mesh=mesh,
        scratch_types=[
            pltpu.VMEM((b_per_w,), jnp.int32),
            pltpu.VMEM((max(SPLITS), D), jnp.float32),
            pltpu.SemaphoreType.DMA,
        ],
    )
    def _sc_gather(idx_hbm, rw_hbm, out_hbm, idx_v, rows_v, sem):
        wid = lax.axis_index("s") * NC + lax.axis_index("c")
        base = wid * b_per_w
        pltpu.sync_copy(idx_hbm.at[pl.ds(base, b_per_w)], idx_v)

        off = 0
        for sz in SPLITS:
            pltpu.async_copy(
                rw_hbm.at[idx_v.at[pl.ds(off, sz)]],
                rows_v.at[pl.ds(0, sz)], sem
            ).wait()
            pltpu.sync_copy(rows_v.at[pl.ds(0, sz)],
                            out_hbm.at[pl.ds(base + off, sz)])
            off += sz

    return _sc_gather


def kernel(prompt_token_ids, tids, router, enc_tables, input_ids):
    del input_ids
    rw = _merge(tids, router, enc_tables)
    idx = prompt_token_ids.astype(jnp.int32)
    b_per_w = B // NW
    copy_of_row = (jnp.arange(B, dtype=jnp.int32) // b_per_w) % NCOPIES
    idx = idx + copy_of_row * CSTRIDE
    return _make_sc_gather()(idx, rw)

# --- scband reference (transcript-rebuilt; emitter-appended) ---
"""Pipeline reference for scband-merge-prompt-encoder-84198538870796 (READ-ONLY COPY).

The authoritative reference and input builder live on the scoring server;
editing this copy changes nothing except your own understanding.
"""

import jax, jax.numpy as jnp
import numpy as np

B = 16384
L = 100
D = 1024
N_ENC = 5
N_TASKS = 2


def setup_inputs(seed: int = 0) -> dict:
    key = jax.random.key(seed)
    k1, k2, k3, k4 = jax.random.split(key, 4)
    # forward args
    prompt_token_ids = jax.random.randint(k1, (B,), 0, L)
    tids = jax.random.randint(k2, (1,), 0, N_TASKS)
    # learned parameters
    # router: nn.Parameter uniform(-0.001, 0.001) of shape (n_tasks, n_prompts)
    router = jax.random.uniform(k3, (N_TASKS, N_ENC), minval=-0.001, maxval=0.001, dtype=jnp.float32)
    # each sub-encoder is an embedding table of shape (L, D); encoder(pids) gathers all L rows
    enc_tables = jax.random.normal(k4, (N_ENC, L, D), dtype=jnp.float32)
    # self.input_ids == prompt_ids == arange(L)
    input_ids = jnp.arange(L, dtype=jnp.int32)
    return {
        "prompt_token_ids": prompt_token_ids,
        "tids": tids,
        "router": router,
        "enc_tables": enc_tables,
        "input_ids": input_ids,
    }


def reference(prompt_token_ids, tids, router, enc_tables, input_ids):
    # MergePromptEncoder.forward with training=False, trunc_router=False
    task_id = tids[0]
    r = router[task_id]  # [n_prompts]
    # id_offset == 0 -> index_list = argmax(prompt_token_ids[:, None] == input_ids, dim=1)
    eq = (prompt_token_ids[:, None] == input_ids[None, :]).astype(jnp.int32)
    index_list = jnp.argmax(eq, axis=1)  # [B]
    # each encoder: out = embedding(encoder.input_ids) -> full table gather
    tl = jnp.take(enc_tables, input_ids, axis=1)  # [N_ENC, L, D]
    z = tl.reshape(N_ENC, -1)  # [N_ENC, L*D]
    running_weight = jnp.matmul(r, z).reshape(-1, D)  # [L, D]
    ret_embeds = jnp.take(running_weight, index_list, axis=0)  # [B, D]
    return ret_embeds

if __name__ == "__main__":
    import jax
    _d = setup_inputs()
    print(jax.jit(kernel)(*tuple(_d.values())))

</pallas_src>

<mosaic_0001>
#map = affine_map<(d0, d1) -> (0)>
#map1 = affine_map<(d0, d1) -> (0, 0)>
module attributes {stable_mosaic.version = 14 : i64} {
  func.func @_sc_gather(%arg0: i32, %arg1: i32, %arg2: memref<16384xi32, #tpu.memory_space<hbm>>, %arg3: memref<1664x1024xf32, #tpu.memory_space<hbm>>, %arg4: memref<16384x1024xf32, #tpu.memory_space<hbm>>, %arg5: memref<512xi32, #tpu.memory_space<vmem>>, %arg6: memref<104x1024xf32, #tpu.memory_space<vmem>>, %arg7: memref<!tpu.dma_semaphore, #tpu.memory_space<semaphore_mem>>) attributes {dimension_semantics = [#tpu.dimension_semantics<core_parallel>, #tpu.dimension_semantics<subcore_parallel>], iteration_bounds = array<i64: 2, 16>, scalar_prefetch = 0 : i64, scratch_operands = 3 : i64, tpu.core_type = #tpu.core_type<sc_vector_subcore>, window_params = [{transform_indices = #map}, {transform_indices = #map1}, {transform_indices = #map1}]} {
    %mul3A = arith.constant 2 : i32
    %mul3A_0 = arith.muli %arg1, %mul3A : i32
    %add3A = arith.addi %mul3A_0, %arg0 : i32
    %mul3A_1 = arith.constant 512 : i32
    %mul3A_2 = arith.muli %add3A, %mul3A_1 : i32
    "tpu.region"() ({
      %run_scoped3A = tpu.sem_alloc : memref<!tpu.dma_semaphore, #tpu.memory_space<semaphore_mem>>
      %dma_start3A_91 = tpu.memref_slice %arg2[%mul3A_2] : memref<16384xi32, #tpu.memory_space<hbm>> -> memref<512xi32, #tpu.memory_space<hbm>>
      %dma_start3A_92 = tpu.memref_slice %arg2[%mul3A_2] : memref<16384xi32, #tpu.memory_space<hbm>> -> memref<512xi32, #tpu.memory_space<hbm>>
      tpu.enqueue_dma source(%dma_start3A_92 : memref<512xi32, #tpu.memory_space<hbm>>) target(%arg5 : memref<512xi32, #tpu.memory_space<vmem>>) target_semaphore(%run_scoped3A : memref<!tpu.dma_semaphore, #tpu.memory_space<semaphore_mem>>)
      %dma_wait3A_93 = tpu.memref_slice %arg2[%mul3A_2] : memref<16384xi32, #tpu.memory_space<hbm>> -> memref<512xi32, #tpu.memory_space<hbm>>
      %dma_wait3A_94 = tpu.memref_slice %arg2[%mul3A_2] : memref<16384xi32, #tpu.memory_space<hbm>> -> memref<512xi32, #tpu.memory_space<hbm>>
      tpu.wait_dma2 semaphore(%run_scoped3A : memref<!tpu.dma_semaphore, #tpu.memory_space<semaphore_mem>>) src(%dma_wait3A_94 : memref<512xi32, #tpu.memory_space<hbm>>) dst(%arg5 : memref<512xi32, #tpu.memory_space<vmem>>)
      tpu.yield
    }) : () -> ()
    %dma_start3A = arith.constant 0 : i32
    %dma_start3A_3 = arith.constant 0 : i32
    %dma_start3A_4 = tpu.memref_slice %arg6[%dma_start3A, %dma_start3A_3] : memref<104x1024xf32, #tpu.memory_space<vmem>> -> memref<104x1024xf32, #tpu.memory_space<vmem>>
    %dma_start3A_5 = arith.constant 0 : i32
    %dma_start3A_6 = tpu.memref_slice %arg5[%dma_start3A_5] : memref<512xi32, #tpu.memory_space<vmem>> -> memref<104xi32, #tpu.memory_space<vmem>>
    %dma_start3A_7 = arith.constant 0 : i32
    %dma_start3A_8 = arith.constant 0 : i32
    %dma_start3A_9 = tpu.memref_slice %arg3[%dma_start3A_7, %dma_start3A_8] : memref<1664x1024xf32, #tpu.memory_space<hbm>> -> memref<1664x1024xf32, #tpu.memory_space<hbm>>
    tpu.enqueue_indirect_dma source(%dma_start3A_9 : memref<1664x1024xf32, #tpu.memory_space<hbm>>) target(%dma_start3A_4 : memref<104x1024xf32, #tpu.memory_space<vmem>>) offsets(%dma_start3A_6 : memref<104xi32, #tpu.memory_space<vmem>>) semaphore(%arg7 : memref<!tpu.dma_semaphore, #tpu.memory_space<semaphore_mem>>)
    %dma_wait3A = arith.constant 0 : i32
    %dma_wait3A_10 = arith.constant 0 : i32
    %dma_wait3A_11 = tpu.memref_slice %arg6[%dma_wait3A, %dma_wait3A_10] : memref<104x1024xf32, #tpu.memory_space<vmem>> -> memref<104x1024xf32, #tpu.memory_space<vmem>>
    %dma_wait3A_12 = arith.constant 0 : i32
    %dma_wait3A_13 = tpu.memref_slice %arg5[%dma_wait3A_12] : memref<512xi32, #tpu.memory_space<vmem>> -> memref<104xi32, #tpu.memory_space<vmem>>
    %dma_wait3A_14 = arith.constant 0 : i32
    %dma_wait3A_15 = arith.constant 0 : i32
    %dma_wait3A_16 = tpu.memref_slice %arg3[%dma_wait3A_14, %dma_wait3A_15] : memref<1664x1024xf32, #tpu.memory_space<hbm>> -> memref<1664x1024xf32, #tpu.memory_space<hbm>>
    tpu.wait_indirect_dma semaphore(%arg7 : memref<!tpu.dma_semaphore, #tpu.memory_space<semaphore_mem>>) src(%dma_wait3A_16 : memref<1664x1024xf32, #tpu.memory_space<hbm>>) dst(%dma_wait3A_11 : memref<104x1024xf32, #tpu.memory_space<vmem>>)
    %add3A_17 = arith.constant 0 : i32
    %add3A_18 = arith.addi %mul3A_2, %add3A_17 : i32
    "tpu.region"() ({
      %run_scoped3A = tpu.sem_alloc : memref<!tpu.dma_semaphore, #tpu.memory_space<semaphore_mem>>
      %dma_start3A_91 = arith.constant 0 : i32
      %dma_start3A_92 = arith.constant 0 : i32
      %dma_start3A_93 = tpu.memref_slice %arg6[%dma_start3A_91, %dma_start3A_92] : memref<104x1024xf32, #tpu.memory_space<vmem>> -> memref<104x1024xf32, #tpu.memory_space<vmem>>
      %dma_start3A_94 = arith.constant 0 : i32
      %dma_start3A_95 = tpu.memref_slice %arg4[%add3A_18, %dma_start3A_94] : memref<16384x1024xf32, #tpu.memory_space<hbm>> -> memref<104x1024xf32, #tpu.memory_space<hbm>>
      %dma_start3A_96 = arith.constant 0 : i32
      %dma_start3A_97 = tpu.memref_slice %arg4[%add3A_18, %dma_start3A_96] : memref<16384x1024xf32, #tpu.memory_space<hbm>> -> memref<104x1024xf32, #tpu.memory_space<hbm>>
      %dma_start3A_98 = arith.constant 0 : i32
      %dma_start3A_99 = arith.constant 0 : i32
      %dma_start3A_100 = tpu.memref_slice %arg6[%dma_start3A_98, %dma_start3A_99] : memref<104x1024xf32, #tpu.memory_space<vmem>> -> memref<104x1024xf32, #tpu.memory_space<vmem>>
      tpu.enqueue_dma source(%dma_start3A_100 : memref<104x1024xf32, #tpu.memory_space<vmem>>) target(%dma_start3A_97 : memref<104x1024xf32, #tpu.memory_space<hbm>>) target_semaphore(%run_scoped3A : memref<!tpu.dma_semaphore, #tpu.memory_space<semaphore_mem>>)
      %dma_wait3A_101 = arith.constant 0 : i32
      %dma_wait3A_102 = arith.constant 0 : i32
      %dma_wait3A_103 = tpu.memref_slice %arg6[%dma_wait3A_101, %dma_wait3A_102] : memref<104x1024xf32, #tpu.memory_space<vmem>> -> memref<104x1024xf32, #tpu.memory_space<vmem>>
      %dma_wait3A_104 = arith.constant 0 : i32
      %dma_wait3A_105 = tpu.memref_slice %arg4[%add3A_18, %dma_wait3A_104] : memref<16384x1024xf32, #tpu.memory_space<hbm>> -> memref<104x1024xf32, #tpu.memory_space<hbm>>
      %dma_wait3A_106 = arith.constant 0 : i32
      %dma_wait3A_107 = tpu.memref_slice %arg4[%add3A_18, %dma_wait3A_106] : memref<16384x1024xf32, #tpu.memory_space<hbm>> -> memref<104x1024xf32, #tpu.memory_space<hbm>>
      %dma_wait3A_108 = arith.constant 0 : i32
      %dma_wait3A_109 = arith.constant 0 : i32
      %dma_wait3A_110 = tpu.memref_slice %arg6[%dma_wait3A_108, %dma_wait3A_109] : memref<104x1024xf32, #tpu.memory_space<vmem>> -> memref<104x1024xf32, #tpu.memory_space<vmem>>
      tpu.wait_dma2 semaphore(%run_scoped3A : memref<!tpu.dma_semaphore, #tpu.memory_space<semaphore_mem>>) src(%dma_wait3A_110 : memref<104x1024xf32, #tpu.memory_space<vmem>>) dst(%dma_wait3A_107 : memref<104x1024xf32, #tpu.memory_space<hbm>>)
      tpu.yield
    }) : () -> ()
    %dma_start3A_19 = arith.constant 0 : i32
    %dma_start3A_20 = arith.constant 0 : i32
    %dma_start3A_21 = tpu.memref_slice %arg6[%dma_start3A_19, %dma_start3A_20] : memref<104x1024xf32, #tpu.memory_space<vmem>> -> memref<104x1024xf32, #tpu.memory_space<vmem>>
    %dma_start3A_22 = arith.constant 104 : i32
    %dma_start3A_23 = tpu.memref_slice %arg5[%dma_start3A_22] : memref<512xi32, #tpu.memory_space<vmem>> -> memref<104xi32, #tpu.memory_space<vmem>>
    %dma_start3A_24 = arith.constant 0 : i32
    %dma_start3A_25 = arith.constant 0 : i32
    %dma_start3A_26 = tpu.memref_slice %arg3[%dma_start3A_24, %dma_start3A_25] : memref<1664x1024xf32, #tpu.memory_space<hbm>> -> memref<1664x1024xf32, #tpu.memory_space<hbm>>
    tpu.enqueue_indirect_dma source(%dma_start3A_26 : memref<1664x1024xf32, #tpu.memory_space<hbm>>) target(%dma_start3A_21 : memref<104x1024xf32, #tpu.memory_space<vmem>>) offsets(%dma_start3A_23 : memref<104xi32, #tpu.memory_space<vmem>>) semaphore(%arg7 : memref<!tpu.dma_semaphore, #tpu.memory_space<semaphore_mem>>)
    %dma_wait3A_27 = arith.constant 0 : i32
    %dma_wait3A_28 = arith.constant 0 : i32
    %dma_wait3A_29 = tpu.memref_slice %arg6[%dma_wait3A_27, %dma_wait3A_28] : memref<104x1024xf32, #tpu.memory_space<vmem>> -> memref<104x1024xf32, #tpu.memory_space<vmem>>
    %dma_wait3A_30 = arith.constant 104 : i32
    %dma_wait3A_31 = tpu.memref_slice %arg5[%dma_wait3A_30] : memref<512xi32, #tpu.memory_space<vmem>> -> memref<104xi32, #tpu.memory_space<vmem>>
    %dma_wait3A_32 = arith.constant 0 : i32
    %dma_wait3A_33 = arith.constant 0 : i32
    %dma_wait3A_34 = tpu.memref_slice %arg3[%dma_wait3A_32, %dma_wait3A_33] : memref<1664x1024xf32, #tpu.memory_space<hbm>> -> memref<1664x1024xf32, #tpu.memory_space<hbm>>
    tpu.wait_indirect_dma semaphore(%arg7 : memref<!tpu.dma_semaphore, #tpu.memory_space<semaphore_mem>>) src(%dma_wait3A_34 : memref<1664x1024xf32, #tpu.memory_space<hbm>>) dst(%dma_wait3A_29 : memref<104x1024xf32, #tpu.memory_space<vmem>>)
    %add3A_35 = arith.constant 104 : i32
    %add3A_36 = arith.addi %mul3A_2, %add3A_35 : i32
    "tpu.region"() ({
      %run_scoped3A = tpu.sem_alloc : memref<!tpu.dma_semaphore, #tpu.memory_space<semaphore_mem>>
      %dma_start3A_91 = arith.constant 0 : i32
      %dma_start3A_92 = arith.constant 0 : i32
      %dma_start3A_93 = tpu.memref_slice %arg6[%dma_start3A_91, %dma_start3A_92] : memref<104x1024xf32, #tpu.memory_space<vmem>> -> memref<104x1024xf32, #tpu.memory_space<vmem>>
      %dma_start3A_94 = arith.constant 0 : i32
      %dma_start3A_95 = tpu.memref_slice %arg4[%add3A_36, %dma_start3A_94] : memref<16384x1024xf32, #tpu.memory_space<hbm>> -> memref<104x1024xf32, #tpu.memory_space<hbm>>
      %dma_start3A_96 = arith.constant 0 : i32
      %dma_start3A_97 = tpu.memref_slice %arg4[%add3A_36, %dma_start3A_96] : memref<16384x1024xf32, #tpu.memory_space<hbm>> -> memref<104x1024xf32, #tpu.memory_space<hbm>>
      %dma_start3A_98 = arith.constant 0 : i32
      %dma_start3A_99 = arith.constant 0 : i32
      %dma_start3A_100 = tpu.memref_slice %arg6[%dma_start3A_98, %dma_start3A_99] : memref<104x1024xf32, #tpu.memory_space<vmem>> -> memref<104x1024xf32, #tpu.memory_space<vmem>>
      tpu.enqueue_dma source(%dma_start3A_100 : memref<104x1024xf32, #tpu.memory_space<vmem>>) target(%dma_start3A_97 : memref<104x1024xf32, #tpu.memory_space<hbm>>) target_semaphore(%run_scoped3A : memref<!tpu.dma_semaphore, #tpu.memory_space<semaphore_mem>>)
      %dma_wait3A_101 = arith.constant 0 : i32
      %dma_wait3A_102 = arith.constant 0 : i32
      %dma_wait3A_103 = tpu.memref_slice %arg6[%dma_wait3A_101, %dma_wait3A_102] : memref<104x1024xf32, #tpu.memory_space<vmem>> -> memref<104x1024xf32, #tpu.memory_space<vmem>>
      %dma_wait3A_104 = arith.constant 0 : i32
      %dma_wait3A_105 = tpu.memref_slice %arg4[%add3A_36, %dma_wait3A_104] : memref<16384x1024xf32, #tpu.memory_space<hbm>> -> memref<104x1024xf32, #tpu.memory_space<hbm>>
      %dma_wait3A_106 = arith.constant 0 : i32
      %dma_wait3A_107 = tpu.memref_slice %arg4[%add3A_36, %dma_wait3A_106] : memref<16384x1024xf32, #tpu.memory_space<hbm>> -> memref<104x1024xf32, #tpu.memory_space<hbm>>
      %dma_wait3A_108 = arith.constant 0 : i32
      %dma_wait3A_109 = arith.constant 0 : i32
      %dma_wait3A_110 = tpu.memref_slice %arg6[%dma_wait3A_108, %dma_wait3A_109] : memref<104x1024xf32, #tpu.memory_space<vmem>> -> memref<104x1024xf32, #tpu.memory_space<vmem>>
      tpu.wait_dma2 semaphore(%run_scoped3A : memref<!tpu.dma_semaphore, #tpu.memory_space<semaphore_mem>>) src(%dma_wait3A_110 : memref<104x1024xf32, #tpu.memory_space<vmem>>) dst(%dma_wait3A_107 : memref<104x1024xf32, #tpu.memory_space<hbm>>)
      tpu.yield
    }) : () -> ()
    %dma_start3A_37 = arith.constant 0 : i32
    %dma_start3A_38 = arith.constant 0 : i32
    %dma_start3A_39 = tpu.memref_slice %arg6[%dma_start3A_37, %dma_start3A_38] : memref<104x1024xf32, #tpu.memory_space<vmem>> -> memref<104x1024xf32, #tpu.memory_space<vmem>>
    %dma_start3A_40 = arith.constant 208 : i32
    %dma_start3A_41 = tpu.memref_slice %arg5[%dma_start3A_40] : memref<512xi32, #tpu.memory_space<vmem>> -> memref<104xi32, #tpu.memory_space<vmem>>
    %dma_start3A_42 = arith.constant 0 : i32
    %dma_start3A_43 = arith.constant 0 : i32
    %dma_start3A_44 = tpu.memref_slice %arg3[%dma_start3A_42, %dma_start3A_43] : memref<1664x1024xf32, #tpu.memory_space<hbm>> -> memref<1664x1024xf32, #tpu.memory_space<hbm>>
    tpu.enqueue_indirect_dma source(%dma_start3A_44 : memref<1664x1024xf32, #tpu.memory_space<hbm>>) target(%dma_start3A_39 : memref<104x1024xf32, #tpu.memory_space<vmem>>) offsets(%dma_start3A_41 : memref<104xi32, #tpu.memory_space<vmem>>) semaphore(%arg7 : memref<!tpu.dma_semaphore, #tpu.memory_space<semaphore_mem>>)
    %dma_wait3A_45 = arith.constant 0 : i32
    %dma_wait3A_46 = arith.constant 0 : i32
    %dma_wait3A_47 = tpu.memref_slice %arg6[%dma_wait3A_45, %dma_wait3A_46] : memref<104x1024xf32, #tpu.memory_space<vmem>> -> memref<104x1024xf32, #tpu.memory_space<vmem>>
    %dma_wait3A_48 = arith.constant 208 : i32
    %dma_wait3A_49 = tpu.memref_slice %arg5[%dma_wait3A_48] : memref<512xi32, #tpu.memory_space<vmem>> -> memref<104xi32, #tpu.memory_space<vmem>>
    %dma_wait3A_50 = arith.constant 0 : i32
    %dma_wait3A_51 = arith.constant 0 : i32
    %dma_wait3A_52 = tpu.memref_slice %arg3[%dma_wait3A_50, %dma_wait3A_51] : memref<1664x1024xf32, #tpu.memory_space<hbm>> -> memref<1664x1024xf32, #tpu.memory_space<hbm>>
    tpu.wait_indirect_dma semaphore(%arg7 : memref<!tpu.dma_semaphore, #tpu.memory_space<semaphore_mem>>) src(%dma_wait3A_52 : memref<1664x1024xf32, #tpu.memory_space<hbm>>) dst(%dma_wait3A_47 : memref<104x1024xf32, #tpu.memory_space<vmem>>)
    %add3A_53 = arith.constant 208 : i32
    %add3A_54 = arith.addi %mul3A_2, %add3A_53 : i32
    "tpu.region"() ({
      %run_scoped3A = tpu.sem_alloc : memref<!tpu.dma_semaphore, #tpu.memory_space<semaphore_mem>>
      %dma_start3A_91 = arith.constant 0 : i32
      %dma_start3A_92 = arith.constant 0 : i32
      %dma_start3A_93 = tpu.memref_slice %arg6[%dma_start3A_91, %dma_start3A_92] : memref<104x1024xf32, #tpu.memory_space<vmem>> -> memref<104x1024xf32, #tpu.memory_space<vmem>>
      %dma_start3A_94 = arith.constant 0 : i32
      %dma_start3A_95 = tpu.memref_slice %arg4[%add3A_54, %dma_start3A_94] : memref<16384x1024xf32, #tpu.memory_space<hbm>> -> memref<104x1024xf32, #tpu.memory_space<hbm>>
      %dma_start3A_96 = arith.constant 0 : i32
      %dma_start3A_97 = tpu.memref_slice %arg4[%add3A_54, %dma_start3A_96] : memref<16384x1024xf32, #tpu.memory_space<hbm>> -> memref<104x1024xf32, #tpu.memory_space<hbm>>
      %dma_start3A_98 = arith.constant 0 : i32
      %dma_start3A_99 = arith.constant 0 : i32
      %dma_start3A_100 = tpu.memref_slice %arg6[%dma_start3A_98, %dma_start3A_99] : memref<104x1024xf32, #tpu.memory_space<vmem>> -> memref<104x1024xf32, #tpu.memory_space<vmem>>
      tpu.enqueue_dma source(%dma_start3A_100 : memref<104x1024xf32, #tpu.memory_space<vmem>>) target(%dma_start3A_97 : memref<104x1024xf32, #tpu.memory_space<hbm>>) target_semaphore(%run_scoped3A : memref<!tpu.dma_semaphore, #tpu.memory_space<semaphore_mem>>)
      %dma_wait3A_101 = arith.constant 0 : i32
      %dma_wait3A_102 = arith.constant 0 : i32
      %dma_wait3A_103 = tpu.memref_slice %arg6[%dma_wait3A_101, %dma_wait3A_102] : memref<104x1024xf32, #tpu.memory_space<vmem>> -> memref<104x1024xf32, #tpu.memory_space<vmem>>
      %dma_wait3A_104 = arith.constant 0 : i32
      %dma_wait3A_105 = tpu.memref_slice %arg4[%add3A_54, %dma_wait3A_104] : memref<16384x1024xf32, #tpu.memory_space<hbm>> -> memref<104x1024xf32, #tpu.memory_space<hbm>>
      %dma_wait3A_106 = arith.constant 0 : i32
      %dma_wait3A_107 = tpu.memref_slice %arg4[%add3A_54, %dma_wait3A_106] : memref<16384x1024xf32, #tpu.memory_space<hbm>> -> memref<104x1024xf32, #tpu.memory_space<hbm>>
      %dma_wait3A_108 = arith.constant 0 : i32
      %dma_wait3A_109 = arith.constant 0 : i32
      %dma_wait3A_110 = tpu.memref_slice %arg6[%dma_wait3A_108, %dma_wait3A_109] : memref<104x1024xf32, #tpu.memory_space<vmem>> -> memref<104x1024xf32, #tpu.memory_space<vmem>>
      tpu.wait_dma2 semaphore(%run_scoped3A : memref<!tpu.dma_semaphore, #tpu.memory_space<semaphore_mem>>) src(%dma_wait3A_110 : memref<104x1024xf32, #tpu.memory_space<vmem>>) dst(%dma_wait3A_107 : memref<104x1024xf32, #tpu.memory_space<hbm>>)
      tpu.yield
    }) : () -> ()
    %dma_start3A_55 = arith.constant 0 : i32
    %dma_start3A_56 = arith.constant 0 : i32
    %dma_start3A_57 = tpu.memref_slice %arg6[%dma_start3A_55, %dma_start3A_56] : memref<104x1024xf32, #tpu.memory_space<vmem>> -> memref<104x1024xf32, #tpu.memory_space<vmem>>
    %dma_start3A_58 = arith.constant 312 : i32
    %dma_start3A_59 = tpu.memref_slice %arg5[%dma_start3A_58] : memref<512xi32, #tpu.memory_space<vmem>> -> memref<104xi32, #tpu.memory_space<vmem>>
    %dma_start3A_60 = arith.constant 0 : i32
    %dma_start3A_61 = arith.constant 0 : i32
    %dma_start3A_62 = tpu.memref_slice %arg3[%dma_start3A_60, %dma_start3A_61] : memref<1664x1024xf32, #tpu.memory_space<hbm>> -> memref<1664x1024xf32, #tpu.memory_space<hbm>>
    tpu.enqueue_indirect_dma source(%dma_start3A_62 : memref<1664x1024xf32, #tpu.memory_space<hbm>>) target(%dma_start3A_57 : memref<104x1024xf32, #tpu.memory_space<vmem>>) offsets(%dma_start3A_59 : memref<104xi32, #tpu.memory_space<vmem>>) semaphore(%arg7 : memref<!tpu.dma_semaphore, #tpu.memory_space<semaphore_mem>>)
    %dma_wait3A_63 = arith.constant 0 : i32
    %dma_wait3A_64 = arith.constant 0 : i32
    %dma_wait3A_65 = tpu.memref_slice %arg6[%dma_wait3A_63, %dma_wait3A_64] : memref<104x1024xf32, #tpu.memory_space<vmem>> -> memref<104x1024xf32, #tpu.memory_space<vmem>>
    %dma_wait3A_66 = arith.constant 312 : i32
    %dma_wait3A_67 = tpu.memref_slice %arg5[%dma_wait3A_66] : memref<512xi32, #tpu.memory_space<vmem>> -> memref<104xi32, #tpu.memory_space<vmem>>
    %dma_wait3A_68 = arith.constant 0 : i32
    %dma_wait3A_69 = arith.constant 0 : i32
    %dma_wait3A_70 = tpu.memref_slice %arg3[%dma_wait3A_68, %dma_wait3A_69] : memref<1664x1024xf32, #tpu.memory_space<hbm>> -> memref<1664x1024xf32, #tpu.memory_space<hbm>>
    tpu.wait_indirect_dma semaphore(%arg7 : memref<!tpu.dma_semaphore, #tpu.memory_space<semaphore_mem>>) src(%dma_wait3A_70 : memref<1664x1024xf32, #tpu.memory_space<hbm>>) dst(%dma_wait3A_65 : memref<104x1024xf32, #tpu.memory_space<vmem>>)
    %add3A_71 = arith.constant 312 : i32
    %add3A_72 = arith.addi %mul3A_2, %add3A_71 : i32
    "tpu.region"() ({
      %run_scoped3A = tpu.sem_alloc : memref<!tpu.dma_semaphore, #tpu.memory_space<semaphore_mem>>
      %dma_start3A_91 = arith.constant 0 : i32
      %dma_start3A_92 = arith.constant 0 : i32
      %dma_start3A_93 = tpu.memref_slice %arg6[%dma_start3A_91, %dma_start3A_92] : memref<104x1024xf32, #tpu.memory_space<vmem>> -> memref<104x1024xf32, #tpu.memory_space<vmem>>
      %dma_start3A_94 = arith.constant 0 : i32
      %dma_start3A_95 = tpu.memref_slice %arg4[%add3A_72, %dma_start3A_94] : memref<16384x1024xf32, #tpu.memory_space<hbm>> -> memref<104x1024xf32, #tpu.memory_space<hbm>>
      %dma_start3A_96 = arith.constant 0 : i32
      %dma_start3A_97 = tpu.memref_slice %arg4[%add3A_72, %dma_start3A_96] : memref<16384x1024xf32, #tpu.memory_space<hbm>> -> memref<104x1024xf32, #tpu.memory_space<hbm>>
      %dma_start3A_98 = arith.constant 0 : i32
      %dma_start3A_99 = arith.constant 0 : i32
      %dma_start3A_100 = tpu.memref_slice %arg6[%dma_start3A_98, %dma_start3A_99] : memref<104x1024xf32, #tpu.memory_space<vmem>> -> memref<104x1024xf32, #tpu.memory_space<vmem>>
      tpu.enqueue_dma source(%dma_start3A_100 : memref<104x1024xf32, #tpu.memory_space<vmem>>) target(%dma_start3A_97 : memref<104x1024xf32, #tpu.memory_space<hbm>>) target_semaphore(%run_scoped3A : memref<!tpu.dma_semaphore, #tpu.memory_space<semaphore_mem>>)
      %dma_wait3A_101 = arith.constant 0 : i32
      %dma_wait3A_102 = arith.constant 0 : i32
      %dma_wait3A_103 = tpu.memref_slice %arg6[%dma_wait3A_101, %dma_wait3A_102] : memref<104x1024xf32, #tpu.memory_space<vmem>> -> memref<104x1024xf32, #tpu.memory_space<vmem>>
      %dma_wait3A_104 = arith.constant 0 : i32
      %dma_wait3A_105 = tpu.memref_slice %arg4[%add3A_72, %dma_wait3A_104] : memref<16384x1024xf32, #tpu.memory_space<hbm>> -> memref<104x1024xf32, #tpu.memory_space<hbm>>
      %dma_wait3A_106 = arith.constant 0 : i32
      %dma_wait3A_107 = tpu.memref_slice %arg4[%add3A_72, %dma_wait3A_106] : memref<16384x1024xf32, #tpu.memory_space<hbm>> -> memref<104x1024xf32, #tpu.memory_space<hbm>>
      %dma_wait3A_108 = arith.constant 0 : i32
      %dma_wait3A_109 = arith.constant 0 : i32
      %dma_wait3A_110 = tpu.memref_slice %arg6[%dma_wait3A_108, %dma_wait3A_109] : memref<104x1024xf32, #tpu.memory_space<vmem>> -> memref<104x1024xf32, #tpu.memory_space<vmem>>
      tpu.wait_dma2 semaphore(%run_scoped3A : memref<!tpu.dma_semaphore, #tpu.memory_space<semaphore_mem>>) src(%dma_wait3A_110 : memref<104x1024xf32, #tpu.memory_space<vmem>>) dst(%dma_wait3A_107 : memref<104x1024xf32, #tpu.memory_space<hbm>>)
      tpu.yield
    }) : () -> ()
    %dma_start3A_73 = arith.constant 0 : i32
    %dma_start3A_74 = arith.constant 0 : i32
    %dma_start3A_75 = tpu.memref_slice %arg6[%dma_start3A_73, %dma_start3A_74] : memref<104x1024xf32, #tpu.memory_space<vmem>> -> memref<96x1024xf32, #tpu.memory_space<vmem>>
    %dma_start3A_76 = arith.constant 416 : i32
    %dma_start3A_77 = tpu.memref_slice %arg5[%dma_start3A_76] : memref<512xi32, #tpu.memory_space<vmem>> -> memref<96xi32, #tpu.memory_space<vmem>>
    %dma_start3A_78 = arith.constant 0 : i32
    %dma_start3A_79 = arith.constant 0 : i32
    %dma_start3A_80 = tpu.memref_slice %arg3[%dma_start3A_78, %dma_start3A_79] : memref<1664x1024xf32, #tpu.memory_space<hbm>> -> memref<1664x1024xf32, #tpu.memory_space<hbm>>
    tpu.enqueue_indirect_dma source(%dma_start3A_80 : memref<1664x1024xf32, #tpu.memory_space<hbm>>) target(%dma_start3A_75 : memref<96x1024xf32, #tpu.memory_space<vmem>>) offsets(%dma_start3A_77 : memref<96xi32, #tpu.memory_space<vmem>>) semaphore(%arg7 : memref<!tpu.dma_semaphore, #tpu.memory_space<semaphore_mem>>)
    %dma_wait3A_81 = arith.constant 0 : i32
    %dma_wait3A_82 = arith.constant 0 : i32
    %dma_wait3A_83 = tpu.memref_slice %arg6[%dma_wait3A_81, %dma_wait3A_82] : memref<104x1024xf32, #tpu.memory_space<vmem>> -> memref<96x1024xf32, #tpu.memory_space<vmem>>
    %dma_wait3A_84 = arith.constant 416 : i32
    %dma_wait3A_85 = tpu.memref_slice %arg5[%dma_wait3A_84] : memref<512xi32, #tpu.memory_space<vmem>> -> memref<96xi32, #tpu.memory_space<vmem>>
    %dma_wait3A_86 = arith.constant 0 : i32
    %dma_wait3A_87 = arith.constant 0 : i32
    %dma_wait3A_88 = tpu.memref_slice %arg3[%dma_wait3A_86, %dma_wait3A_87] : memref<1664x1024xf32, #tpu.memory_space<hbm>> -> memref<1664x1024xf32, #tpu.memory_space<hbm>>
    tpu.wait_indirect_dma semaphore(%arg7 : memref<!tpu.dma_semaphore, #tpu.memory_space<semaphore_mem>>) src(%dma_wait3A_88 : memref<1664x1024xf32, #tpu.memory_space<hbm>>) dst(%dma_wait3A_83 : memref<96x1024xf32, #tpu.memory_space<vmem>>)
    %add3A_89 = arith.constant 416 : i32
    %add3A_90 = arith.addi %mul3A_2, %add3A_89 : i32
    "tpu.region"() ({
      %run_scoped3A = tpu.sem_alloc : memref<!tpu.dma_semaphore, #tpu.memory_space<semaphore_mem>>
      %dma_start3A_91 = arith.constant 0 : i32
      %dma_start3A_92 = arith.constant 0 : i32
      %dma_start3A_93 = tpu.memref_slice %arg6[%dma_start3A_91, %dma_start3A_92] : memref<104x1024xf32, #tpu.memory_space<vmem>> -> memref<96x1024xf32, #tpu.memory_space<vmem>>
      %dma_start3A_94 = arith.constant 0 : i32
      %dma_start3A_95 = tpu.memref_slice %arg4[%add3A_90, %dma_start3A_94] : memref<16384x1024xf32, #tpu.memory_space<hbm>> -> memref<96x1024xf32, #tpu.memory_space<hbm>>
      %dma_start3A_96 = arith.constant 0 : i32
      %dma_start3A_97 = tpu.memref_slice %arg4[%add3A_90, %dma_start3A_96] : memref<16384x1024xf32, #tpu.memory_space<hbm>> -> memref<96x1024xf32, #tpu.memory_space<hbm>>
      %dma_start3A_98 = arith.constant 0 : i32
      %dma_start3A_99 = arith.constant 0 : i32
      %dma_start3A_100 = tpu.memref_slice %arg6[%dma_start3A_98, %dma_start3A_99] : memref<104x1024xf32, #tpu.memory_space<vmem>> -> memref<96x1024xf32, #tpu.memory_space<vmem>>
      tpu.enqueue_dma source(%dma_start3A_100 : memref<96x1024xf32, #tpu.memory_space<vmem>>) target(%dma_start3A_97 : memref<96x1024xf32, #tpu.memory_space<hbm>>) target_semaphore(%run_scoped3A : memref<!tpu.dma_semaphore, #tpu.memory_space<semaphore_mem>>)
      %dma_wait3A_101 = arith.constant 0 : i32
      %dma_wait3A_102 = arith.constant 0 : i32
      %dma_wait3A_103 = tpu.memref_slice %arg6[%dma_wait3A_101, %dma_wait3A_102] : memref<104x1024xf32, #tpu.memory_space<vmem>> -> memref<96x1024xf32, #tpu.memory_space<vmem>>
      %dma_wait3A_104 = arith.constant 0 : i32
      %dma_wait3A_105 = tpu.memref_slice %arg4[%add3A_90, %dma_wait3A_104] : memref<16384x1024xf32, #tpu.memory_space<hbm>> -> memref<96x1024xf32, #tpu.memory_space<hbm>>
      %dma_wait3A_106 = arith.constant 0 : i32
      %dma_wait3A_107 = tpu.memref_slice %arg4[%add3A_90, %dma_wait3A_106] : memref<16384x1024xf32, #tpu.memory_space<hbm>> -> memref<96x1024xf32, #tpu.memory_space<hbm>>
      %dma_wait3A_108 = arith.constant 0 : i32
      %dma_wait3A_109 = arith.constant 0 : i32
      %dma_wait3A_110 = tpu.memref_slice %arg6[%dma_wait3A_108, %dma_wait3A_109] : memref<104x1024xf32, #tpu.memory_space<vmem>> -> memref<96x1024xf32, #tpu.memory_space<vmem>>
      tpu.wait_dma2 semaphore(%run_scoped3A : memref<!tpu.dma_semaphore, #tpu.memory_space<semaphore_mem>>) src(%dma_wait3A_110 : memref<96x1024xf32, #tpu.memory_space<vmem>>) dst(%dma_wait3A_107 : memref<96x1024xf32, #tpu.memory_space<hbm>>)
      tpu.yield
    }) : () -> ()
    return
  }
}

module attributes {stable_mosaic.version = 14 : i64} {
  func.func @_merge_body(%arg0: i32, %arg1: memref<1xi32, #tpu.memory_space<smem>>, %arg2: memref<2x5xf32, #tpu.memory_space<smem>>, %arg3: memref<5x100x1024xf32, #tpu.memory_space<vmem>>, %arg4: memref<1x104x1024xf32, #tpu.memory_space<vmem>>) attributes {dimension_semantics = [#tpu.dimension_semantics<arbitrary>], iteration_bounds = array<i64: 16>, scalar_prefetch = 0 : i64, scratch_operands = 0 : i64, tpu.core_type = #tpu.core_type<tc>, window_params = [{transform_indices = @transform_0, window_bounds = array<i64: 1>}, {transform_indices = @transform_1, window_bounds = array<i64: 2, 5>}, {pipeline_mode = #tpu.pipeline_mode<synchronous>, transform_indices = @transform_2, window_bounds = array<i64: 5, 100, 1024>}, {transform_indices = @transform_3, window_bounds = array<i64: 1, 104, 1024>}]} {
    %get3A = arith.constant 0 : index
    %get3A_0 = memref.load %arg1[%get3A] : memref<1xi32, #tpu.memory_space<smem>>
    %get3A_1 = arith.index_cast %get3A_0 : i32 to index
    %get3A_2 = arith.constant 0 : index
    %get3A_3 = memref.load %arg2[%get3A_1, %get3A_2] : memref<2x5xf32, #tpu.memory_space<smem>>
    %get3A_4 = arith.constant 0 : index
    %get3A_5 = arith.constant 0 : index
    %get3A_6 = arith.constant 0 : index
    %get3A_7 = vector.load %arg3[%get3A_4, %get3A_5, %get3A_6] : memref<5x100x1024xf32, #tpu.memory_space<vmem>>, vector<1x100x1024xf32>
    %get3A_8 = vector.shape_cast %get3A_7 : vector<1x100x1024xf32> to vector<100x1024xf32>
    %mul3A = vector.broadcast %get3A_3 : f32 to vector<100x1024xf32>
    %mul3A_9 = arith.mulf %mul3A, %get3A_8 : vector<100x1024xf32>
    %get3A_10 = arith.index_cast %get3A_0 : i32 to index
    %get3A_11 = arith.constant 1 : index
    %get3A_12 = memref.load %arg2[%get3A_10, %get3A_11] : memref<2x5xf32, #tpu.memory_space<smem>>
    %get3A_13 = arith.constant 1 : index
    %get3A_14 = arith.constant 0 : index
    %get3A_15 = arith.constant 0 : index
    %get3A_16 = vector.load %arg3[%get3A_13, %get3A_14, %get3A_15] : memref<5x100x1024xf32, #tpu.memory_space<vmem>>, vector<1x100x1024xf32>
    %get3A_17 = vector.shape_cast %get3A_16 : vector<1x100x1024xf32> to vector<100x1024xf32>
    %mul3A_18 = vector.broadcast %get3A_12 : f32 to vector<100x1024xf32>
    %mul3A_19 = arith.mulf %mul3A_18, %get3A_17 : vector<100x1024xf32>
    %add3A = arith.addf %mul3A_9, %mul3A_19 : vector<100x1024xf32>
    %get3A_20 = arith.index_cast %get3A_0 : i32 to index
    %get3A_21 = arith.constant 2 : index
    %get3A_22 = memref.load %arg2[%get3A_20, %get3A_21] : memref<2x5xf32, #tpu.memory_space<smem>>
    %get3A_23 = arith.constant 2 : index
    %get3A_24 = arith.constant 0 : index
    %get3A_25 = arith.constant 0 : index
    %get3A_26 = vector.load %arg3[%get3A_23, %get3A_24, %get3A_25] : memref<5x100x1024xf32, #tpu.memory_space<vmem>>, vector<1x100x1024xf32>
    %get3A_27 = vector.shape_cast %get3A_26 : vector<1x100x1024xf32> to vector<100x1024xf32>
    %mul3A_28 = vector.broadcast %get3A_22 : f32 to vector<100x1024xf32>
    %mul3A_29 = arith.mulf %mul3A_28, %get3A_27 : vector<100x1024xf32>
    %add3A_30 = arith.addf %add3A, %mul3A_29 : vector<100x1024xf32>
    %get3A_31 = arith.index_cast %get3A_0 : i32 to index
    %get3A_32 = arith.constant 3 : index
    %get3A_33 = memref.load %arg2[%get3A_31, %get3A_32] : memref<2x5xf32, #tpu.memory_space<smem>>
    %get3A_34 = arith.constant 3 : index
    %get3A_35 = arith.constant 0 : index
    %get3A_36 = arith.constant 0 : index
    %get3A_37 = vector.load %arg3[%get3A_34, %get3A_35, %get3A_36] : memref<5x100x1024xf32, #tpu.memory_space<vmem>>, vector<1x100x1024xf32>
    %get3A_38 = vector.shape_cast %get3A_37 : vector<1x100x1024xf32> to vector<100x1024xf32>
    %mul3A_39 = vector.broadcast %get3A_33 : f32 to vector<100x1024xf32>
    %mul3A_40 = arith.mulf %mul3A_39, %get3A_38 : vector<100x1024xf32>
    %add3A_41 = arith.addf %add3A_30, %mul3A_40 : vector<100x1024xf32>
    %get3A_42 = arith.index_cast %get3A_0 : i32 to index
    %get3A_43 = arith.constant 4 : index
    %get3A_44 = memref.load %arg2[%get3A_42, %get3A_43] : memref<2x5xf32, #tpu.memory_space<smem>>
    %get3A_45 = arith.constant 4 : index
    %get3A_46 = arith.constant 0 : index
    %get3A_47 = arith.constant 0 : index
    %get3A_48 = vector.load %arg3[%get3A_45, %get3A_46, %get3A_47] : memref<5x100x1024xf32, #tpu.memory_space<vmem>>, vector<1x100x1024xf32>
    %get3A_49 = vector.shape_cast %get3A_48 : vector<1x100x1024xf32> to vector<100x1024xf32>
    %mul3A_50 = vector.broadcast %get3A_44 : f32 to vector<100x1024xf32>
    %mul3A_51 = arith.mulf %mul3A_50, %get3A_49 : vector<100x1024xf32>
    %add3A_52 = arith.addf %add3A_41, %mul3A_51 : vector<100x1024xf32>
    %swap3A = arith.constant 0 : index
    %swap3A_53 = arith.constant 0 : index
    %swap3A_54 = arith.constant 0 : index
    %swap3A_55 = vector.load %arg4[%swap3A, %swap3A_53, %swap3A_54] : memref<1x104x1024xf32, #tpu.memory_space<vmem>>, vector<1x100x1024xf32>
    %swap3A_56 = vector.shape_cast %swap3A_55 : vector<1x100x1024xf32> to vector<100x1024xf32>
    %swap3A_57 = vector.shape_cast %add3A_52 : vector<100x1024xf32> to vector<1x100x1024xf32>
    tpu.vector_store %arg4[%swap3A, %swap3A_53, %swap3A_54], %swap3A_57 {strides = array<i32>} : memref<1x104x1024xf32, #tpu.memory_space<vmem>>, vector<1x100x1024xf32>,
    return
  }
  func.func @transform_0(%arg0: i32) -> i32 {
    %c0_i32 = arith.constant 0 : i32
    %c0_i32_0 = arith.constant 0 : i32
    return %c0_i32 : i32
  }
  func.func @transform_1(%arg0: i32) -> (i32, i32) {
    %c0_i32 = arith.constant 0 : i32
    %c0_i32_0 = arith.constant 0 : i32
    %c0_i32_1 = arith.constant 0 : i32
    return %c0_i32, %c0_i32_0 : i32, i32
  }
  func.func @transform_2(%arg0: i32) -> (i32, i32, i32) {
    %c0_i32 = arith.constant 0 : i32
    %c0_i32_0 = arith.constant 0 : i32
    %c0_i32_1 = arith.constant 0 : i32
    %c0_i32_2 = arith.constant 0 : i32
    return %c0_i32, %c0_i32_0, %c0_i32_1 : i32, i32, i32
  }
  func.func @transform_3(%arg0: i32) -> (i32, i32, i32) {
    %c0_i32 = arith.constant 0 : i32
    %c0_i32_0 = arith.constant 0 : i32
    %c0_i32_1 = arith.constant 0 : i32
    return %arg0, %c0_i32, %c0_i32_0 : i32, i32, i32
  }
}

</mosaic_0001>

<sc_bundles>
// kernel: kernel.4.cloned.1.call-start
scs
__scs_entry_jumppad:
0x0: {  	(pc) =	sbr.rel $0x88, $3  }
0x1: {  	(tag) =	ssettag $0x0;
	lr =	simm.s32 $0x1  }
0x2: {  	[smem:$0x3F9D] =	sst lr;
	_ =	strace $0xD0000000  }
0x3: {  	_ = 	snop  }
0x4: {  	_ = 	snop  }
0x5: {  	_ = 	snop  }
0x6: {  	_ = 	snop  }
0x7: {  	_ = 	snop  }
__scs_overlays_trampoline_lowered:
0x8: {  	[smem:$0x3FAC] =	sst s0  }
0x9: {  	[smem:$0x3FAD] =	sst s1  }
0xa: {  	[smem:$0x3FAE] =	sst s2  }
0xb: {  	[smem:$0x3FAF] =	sst s3  }
0xc: {  	[smem:$0x3FB0] =	sst s4  }
0xd: {  	[smem:$0x3FB1] =	sst s5  }
0xe: {  	[smem:$0x3FB2] =	sst s6  }
0xf: {  	[smem:$0x3FB3] =	sst s7  }
0x10: {  	[smem:$0x3FB4] =	sst s8  }
0x11: {  	[smem:$0x3FB5] =	sst s9;
	s0 =	simm.s32 @!p0 $0x0  }
0x12: {  	s1 =	sld [smem:$0x3F9B];
	s0 =	simm.s32 @p0 $0x1  }
0x13: {  	[smem:$0x3FB6] =	sst s0;
	s0 =	simm.s32 @!p1 $0x0  }
0x14: {  	s2 =	sld [smem:$0x3F9A];
	s0 =	simm.s32 @p1 $0x1  }
0x15: {  	[smem:$0x3FB7] =	sst s0;
	s0 =	simm.s32 @!p2 $0x0  }
0x16: {  	s3 =	sld [smem:$0x3FDB];
	s0 =	simm.s32 @p2 $0x1  }
0x17: {  	s4 =	simm.s32 $0x1BF5;
	[smem:$0x3FB9] =	sst s0  }
0x18: {  	s0 =	sld [smem:$0x3F9C];
	_ =	swait.ge [sflag:s4], $0x0  }
0x19: {  	s7 =	sld [smem:$0x3F9D]  }
0x1a: {  	s8 =	sadd.s32 $0xFFFFE003, lr  }
0x1b: {  	s9 =	sadd.s32 $0xFFFFFEF7, lr;
	s5 =	simm.s32 $0xFFFFFFFF;
	p2 =	slt.u32 s8, $0xFFFFF086  }
0x1c: {  	p1 =	slt.u32 s9, $0xF7A;
	s5 =	simm.s32 @!p2 $0x0  }
0x1d: {  	s5 =	simm.s32 @p1 $0x1;
	p0 =	seq.s32 s7, s2  }
0x1e: {  	s7 =	smul.u32 @!p0 $0xF7A, s2;
	p2 =	seq.s32 @!p0 s5, $0x0  }
0x1f: {  	s9 =	smul.u32 $0xF7A, s1;
	s8 =	simm.s32 @!p0 $0x1BF5;
	p2 =	por !p2, p0  }
0x20: {  	[sflag:s8] =	ssyncset.s32 @!p0 $0xFFFFF086;
	s6 =	sadd.s32 @!p0 s3, s7;
	s7 =	simm.s32 @!p0 $0x108  }
0x21: {  	s3 =	sadd.s32 s3, s9;
	s6 =	sadd.s32 @!p0 $0x88, s6;
	s7 =	simm.s32 @p2 $0x1082  }
0x22: {  	[simem:s7], [sflag:s8] =	dma.local @!p0 [hbm:s6], $0xF7A  }
0x23: {  	s9 =	sor.u32 $0xD0000000, s2;
	s6 =	simm.s32 $0x108;
	_ =	swait.ge @!p0 [sflag:s8], $0x0  }
0x24: {  	s3 =	sadd.s32 $0x88, s3;
	s6 =	simm.s32 @!p1 $0x1082;
	[sflag:s4] =	ssyncset.s32 $0xFFFFF086  }
0x25: {  	[simem:s6], [sflag:s4] =	dma.local [hbm:s3], $0xF7A  }
0x26: {  	[smem:$0x3F9D] =	sst s1;
	(tag) =	ssettag s2;
	_ =	strace s9  }
0x27: {  	s1 =	sld [smem:$0x3FAD]  }
0x28: {  	s2 =	sld [smem:$0x3FAE]  }
0x29: {  	s4 =	sld [smem:$0x3FB0]  }
0x2a: {  	p0 =	seq.s32 s5, $0x0;
	s5 =	sld [smem:$0x3FB1]  }
0x2b: {  	s6 =	sld [smem:$0x3FB2]  }
0x2c: {  	s7 =	sld [smem:$0x3FB3]  }
0x2d: {  	s3 =	simm.s32 $0x108;
	s8 =	sld [smem:$0x3FB4]  }
0x2e: {  	s3 =	simm.s32 @!p0 $0x1082;
	s9 =	sld [smem:$0x3FB5]  }
0x2f: {  	lr =	sadd.s32 s0, s3;
	s0 =	sld [smem:$0x3FAC]  }
0x30: {  	s3 =	sld [smem:$0x3FAF]  }
0x31: {  	[smem:$0x3FB8] =	sst s10  }
0x32: {  	s10 =	sld [smem:$0x3FB6];
	_ =	sdelay $0x3  }
0x33: {  	p0 =	seq.s32 s10, $0x1;
	s10 =	sld [smem:$0x3FB8];
	_ =	sdelay $0x3  }
0x34: {  	[smem:$0x3FB8] =	sst s10  }
0x35: {  	s10 =	sld [smem:$0x3FB7];
	_ =	sdelay $0x3  }
0x36: {  	p1 =	seq.s32 s10, $0x1;
	s10 =	sld [smem:$0x3FB8];
	_ =	sdelay $0x3  }
0x37: {  	[smem:$0x3FB8] =	sst s10  }
0x38: {  	s10 =	sld [smem:$0x3FB9]  }
0x39: {  	_ = 	snop;
	(pc) =	sbr.ind lr, $3  }
0x3a: {  	_ = 	snop  }
0x3b: {  	_ = 	snop  }
0x3c: {  	p2 =	seq.s32 s10, $0x1;
	s10 =	sld [smem:$0x3FB8]  }
0x3d: {  	_ =	shalt  }
0x3e: {  	_ =	shalt  }
0x3f: {  	_ =	shalt  }
0x40: {  	_ =	shalt  }
0x41: {  	_ =	shalt  }
0x42: {  	_ =	shalt  }
0x43: {  	_ =	shalt  }
0x44: {  	_ =	shalt  }
0x45: {  	_ =	shalt  }
0x46: {  	_ =	shalt  }
0x47: {  	_ =	shalt  }
0x48: {  	_ =	shalt  }
0x49: {  	_ =	shalt  }
0x4a: {  	_ =	shalt  }
0x4b: {  	_ =	shalt  }
0x4c: {  	_ =	shalt  }
0x4d: {  	_ =	shalt  }
0x4e: {  	_ =	shalt  }
0x4f: {  	_ =	shalt  }
0x50: {  	_ =	shalt  }
0x51: {  	_ =	shalt  }
0x52: {  	_ =	shalt  }
0x53: {  	_ =	shalt  }
0x54: {  	_ =	shalt  }
0x55: {  	_ =	shalt  }
0x56: {  	_ =	shalt  }
0x57: {  	_ =	shalt  }
0x58: {  	_ =	shalt  }
0x59: {  	_ =	shalt  }
0x5a: {  	_ =	shalt  }
0x5b: {  	_ =	shalt  }
0x5c: {  	_ =	shalt  }
0x5d: {  	_ =	shalt  }
0x5e: {  	_ =	shalt  }
0x5f: {  	_ =	shalt  }
0x60: {  	_ =	shalt  }
0x61: {  	_ =	shalt  }
0x62: {  	_ =	shalt  }
0x63: {  	_ =	shalt  }
0x64: {  	_ =	shalt  }
0x65: {  	_ =	shalt  }
0x66: {  	_ =	shalt  }
0x67: {  	_ =	shalt  }
0x68: {  	_ =	shalt  }
0x69: {  	_ =	shalt  }
0x6a: {  	_ =	shalt  }
0x6b: {  	_ =	shalt  }
0x6c: {  	_ =	shalt  }
0x6d: {  	_ =	shalt  }
0x6e: {  	_ =	shalt  }
0x6f: {  	_ =	shalt  }
0x70: {  	_ =	shalt  }
0x71: {  	_ =	shalt  }
0x72: {  	_ =	shalt  }
0x73: {  	_ =	shalt  }
0x74: {  	_ =	shalt  }
0x75: {  	_ =	shalt  }
0x76: {  	_ =	shalt  }
0x77: {  	_ =	shalt  }
0x78: {  	_ =	shalt  }
0x79: {  	_ =	shalt  }
0x7a: {  	_ =	shalt  }
0x7b: {  	_ =	shalt  }
0x7c: {  	_ =	shalt  }
0x7d: {  	_ =	shalt  }
0x7e: {  	_ =	shalt  }
0x7f: {  	_ =	shalt  }
0x80: {  	_ =	shalt  }
0x81: {  	_ =	shalt  }
0x82: {  	_ =	shalt  }
0x83: {  	_ =	shalt  }
0x84: {  	_ =	shalt  }
0x85: {  	_ =	shalt  }
0x86: {  	_ =	shalt  }
0x87: {  	_ =	shalt  }
.Lfunc_end0:
.L_simem_size_0:
called_computation_lowered:
.L_overlay_start_0:
0x88: {  	s2 =	sld [smem:$0x3FD9]  }
0x89: {  	s3 =	sld [smem:$0x3FFE];
	_ =	sdelay $0x1  }
0x8a: {  	s1 =	srdreg.scid  }
0x8b: {  	s0 =	sand.u32 $0x1, s1  }
0x8c: {  	s17 =	sshll.u32 s0, $0xA;
	s2 =	sadd.s32 s3, s2  }
0x8d: {  	s2 =	sadd.s32 s2, s17  }
0x8e: {  	[smem:$0x3FC4] =	sst s2  }
0x8f: {  	_ = 	snop  }
0x90: {  	s2 =	sld [smem:$0x3FD0];
	(tm) =	ssettm $0x1  }
0x91: {  	s18 =	sld [smem:$0x3FFB];
	_ =	sdelay $0x3  }
0x92: {  	_ =	strace s18  }
0x93: {  	s3 =	sld [smem:$0x3FFC];
	_ =	sdelay $0x3  }
0x94: {  	_ =	strace s3  }
0x95: {  	s3 =	sld [smem:$0x3FFD];
	_ =	sdelay $0x3  }
0x96: {  	_ =	strace s3  }
0x97: {  	_ =	strace $0x8FFFFFFF  }
0x98: {  	s19 =	sld [smem:$0x3FDB];
	_ =	sdelay $0x1  }
0x99: {  	s4 =	simm.s32 $_scs_section_size  }
0x9a: {  	s5 =	simm.s32 $_size__tile_overlayer_lowered;
	s6 =	simm.s32 $_tile_overlayer_lowered  }
0x9b: {  	s22 =	simm.s32 $0x1BFF;
	s21 =	sshll.u32 s6, $0x1;
	s3 =	sadd.s32 s4, s19  }
0x9c: {  	s7 =	simm.s32 $0x0;
	s20 =	sshll.u32 s5, $0x1;
	s5 =	sadd.s32 s21, s3  }
0x9d: {  	[timem:s7], [sflag:s22] =	dma.local [hbm:s5], s20  }
0x9e: {  	_ =	swait.ge [sflag:s22], s20  }
0x9f: {  	s4 =	ssub.s32 $0x0, s20;
	[sflag:s22] =	ssyncset.done $0x0  }
0xa0: {  	[sflag:s22] =	ssyncadd.s32 s4;
	_ =	sdelay $0x1  }
0xa1: {  	s23 =	simm.s32 $0x1B8B  }
0xa2: {  	_ =	swait.ge [sflag:s23], $0x1  }
0xa3: {  	[sflag:s23] =	ssyncset.done $0x0  }
0xa4: {  	s25 =	simm.s32 $0x1B8E;
	s24 =	sld [smem:$0x3FFE];
	[sflag:s23] =	ssyncadd.s32 $0xFFFFFFFF  }
0xa5: {  	s26 =	simm.s32 $execute0_lowered;
	[smem:$0x3FD2] =	sst s25  }
0xa6: {  	s5 =	sshll.u32 s26, $0x1;
	_ =	strace $0x80000046;
	[dreg:$0x1] =	wrdreg $0xFFFFFFFF  }
0xa7: {  	s28 =	simm.s32 $_size_execute0_lowered;
	s3 =	sadd.s32 s3, s5;
	[dreg:$0x0] =	wrdreg $0x0  }
0xa8: {  	s5 =	sshll.u32 s28, $0x1;
	[dreg:$0x2] =	wrdreg s3  }
0xa9: {  	[dreg:$0x3] =	wrdreg s5  }
0xaa: {  	[dreg:$0x4] =	wrdreg $0xC0  }
0xab: {  	_ =	task [dreg:s7], $0x5FFFF  }
0xac: {  	[dreg:$0x1] =	wrdreg $0xFFFFFFFF  }
0xad: {  	[dreg:$0x0] =	wrdreg $0x60  }
0xae: {  	[dreg:$0x2] =	wrdreg s24  }
0xaf: {  	[dreg:$0x3] =	wrdreg s2  }
0xb0: {  	[dreg:$0x4] =	wrdreg $0x9  }
0xb1: {  	_ =	task.clear_ibuf [dreg:s7], $0x5FFFF;
	_ =	strace $0x90000046  }
0xb2: {  	s29 =	simm.s32 $0x9;
	_ =	strace $0x80000048  }
0xb3: {  	_ =	swait.ge [sflag:s29], $0x1  }
0xb4: {  	[sflag:s29] =	ssyncadd.s32 $0xFFFFFFFF  }
0xb5: {  	_ =	strace $0x90000048  }
0xb6: {  	_ =	sfence  }
0xb7: {  	s30 =	sld [smem:$0x0];
	_ =	sdelay $0x2  }
0xb8: {  	s31 =	sshll.u32 s1, $0xD;
	s1 =	sshrl.u32 s1, $0x2  }
0xb9: {  	s3 =	sand.u32 $0x4000, s31;
	s1 =	sadd.s32 s1, s30  }
0xba: {  	s0 =	sor.u32 s3, s0;
	s1 =	sshll.u32 s1, $0x11  }
0xbb: {  	s0 =	sor.u32 s1, s0  }
0xbc: {  	s0 =	sadd.s32 $0x8F2B, s0  }
0xbd: {  	[sflag:s0] =	ssyncadd.remote.s32 $0x1  }
0xbe: {  	_ =	sfence.sel $0xFFFF  }
0xbf: {  	[dreg:$0x0] =	wrdreg $0xFFFFFFFF;
	(pc) =	sbr.abs _section_cstart, $3  }
0xc0: {  	[dreg:$0x1] =	wrdreg $0xFFFFFFFF  }
0xc1: {  	_ =	task.clear_ibuf [dreg:s7], $0x2FFFF;
	_ =	strace $0x9FFFFFFF  }
0xc2: {  	(tm) =	ssettm $0x7FFFFFFF  }
0xc3: {  	_ =	shalt  }
tec
execute0_lowered:
.L_overlay_start_1:
0x0: {  	(tag) =	ssettag $0x1  }
0x1: {  	s0 =	rddreg [dreg:$0x0]  }
0x2: {  	s1 =	rddreg [dreg:$0x1];
	s2 =	srdreg.scid  }
0x3: {  	s3 =	stileid.u32;
	s9 =	simm.s32 $0x2;
	s4 =	sand.u32 $0x1, s2  }
0x4: {  	s2 =	simm.s32 $0x0;
	s3 =	sshll.u32 s3, $0xA;
	s5 =	sshll.u32 s4, $0x9  }
0x5: {  	s12 =	simm.s32 $0x1;
	[smem:$0x7FF] =	sst s2;
	s5 =	sor.u32 s5, s3  }
0x6: {  	s4 =	ssub.s32 $0x2, s4;
	s3 =	sshrl.u32 s5, $0x3;
	s5 =	sshll.u32 s5, $0x7  }
0x7: {  	_ =	strace $0x80000047;
	s6 =	sadd.s32 s3, s0;
	s7 =	sadd.s32 s1, s5  }
0x8: {  	s28 =	sshrl.u32 s4, $0x1;
	s6 =	sadd.s32 $0xA00, s6;
	[dreg:$0x8] =	wrdreg s7  }
0x9: {  	s3 =	sadd.s32 $0x1200, s0;
	s5 =	sadd.s32 $0x3400, s7;
	[dreg:$0x3] =	wrdreg s6  }
0xa: {  	s1 =	ssub.s32 s4, s28;
	s29 =	sadd.s32 $0x6800, s7;
	[dreg:$0x4] =	wrdreg s5  }
0xb: {  	v2 =	vlaneseq.u32;
	s30 =	sadd.s32 $0x9C00, s7;
	s31 =	sadd.s32 $0xD000, s7;
	[dreg:$0x5] =	wrdreg s29  }
0xc: {  	vm0 =	vmmov $0xffff;
	v1 =	vshrl.u32 v2, $0x3;
	s7 =	sadd.s32 $0x1500, s0;
	s5 =	sadd.s32 $0x1300, s0;
	[dreg:$0x6] =	wrdreg s30  }
0xd: {  	v0 =	vand.u32 $0x7, v2;
	v2 =	vor.u32 $0x8, v2;
	v1 =	vmul.u32 $0x8, v1;
	s6 =	sadd.s32 $0x1400, s0;
	[dreg:$0x7] =	wrdreg s31;
	s0 =	smax.u32 s1, $0x1  }
.LBB2_1:
0xe: {  	[dreg:$0x9] =	wrdreg s0  }
0xf: {  	s13 =	rddreg [dreg:$0x3]  }
0x10: {  	[tilespmem:s2], [sflag:$0x2] =	stream.linear.gather [hbm4b:s13+s2], $0x200, $0x38;
	[tilespmem:$0x1A200] =	vst v63  }
0x11: {  	_ =	swait.ge [sflag:s9], $0x200  }
0x12: {  	[sflag:s9] =	ssyncset.done $0x0  }
0x13: {  	[sflag:s9] =	ssyncadd.s32 $0xFFFFFE00  }
0x14: {  	v3 =	vld [tilespmem:$0x0];
	_ =	sdelay $0x4  }
0x15: {  	v4 =	vshll.u32 v3, $0x3  }
0x16: {  	v3 =	vand.u32 $0x7, v3;
	v4 =	vand.u32 $0xFFFFFFC0, v4  }
0x17: {  	v3 =	vor.u32 v3, v4  }
0x18: {  	v4 =	vperm.xlane v3, v0;
	_ =	sdelay $0x1  }
0x19: {  	v4 =	vadd.s32 v1, v4;
	_ =	sdelay $0x3  }
0x1a: {  	s1 =	simm.s32 $0x200  }
0x1b: {  	[tilespmem:s1], [sflag:$0x1] =	stream.indirect_vreg.gather [hbm4b:s3+s2], $0x80, v4, vm0, $0xb8;
	[tilespmem:$0x1A200] =	vst v63  }
0x1c: {  	s4 =	simm.s32 $0xA00;
	v3 =	vperm.xlane v3, v2  }
0x1d: {  	[tilespmem:s4], [sflag:$0x1] =	stream.indirect_vreg.gather [hbm4b:s5+s2], $0x80, v4, vm0, $0xb8;
	[tilespmem:$0x1A200] =	vst v63  }
0x1e: {  	s8 =	simm.s32 $0x1200;
	v3 =	vadd.s32 v1, v3  }
0x1f: {  	[tilespmem:s8], [sflag:$0x1] =	stream.indirect_vreg.gather [hbm4b:s6+s2], $0x80, v4, vm0, $0xb8;
	[tilespmem:$0x1A200] =	vst v63  }
0x20: {  	s10 =	simm.s32 $0x1A00  }
0x21: {  	[tilespmem:s10], [sflag:$0x1] =	stream.indirect_vreg.gather [hbm4b:s7+s2], $0x80, v4, vm0, $0xb8;
	[tilespmem:$0x1A200] =	vst v63  }
0x22: {  	s11 =	simm.s32 $0x2200  }
0x23: {  	[tilespmem:s11], [sflag:$0x1] =	stream.indirect_vreg.gather [hbm4b:s3+s2], $0x80, v3, vm0, $0xb8;
	[tilespmem:$0x1A200] =	vst v63  }
0x24: {  	s13 =	simm.s32 $0x2A00  }
0x25: {  	[tilespmem:s13], [sflag:$0x1] =	stream.indirect_vreg.gather [hbm4b:s5+s2], $0x80, v3, vm0, $0xb8;
	[tilespmem:$0x1A200] =	vst v63  }
0x26: {  	s14 =	simm.s32 $0x3200  }
0x27: {  	[tilespmem:s14], [sflag:$0x1] =	stream.indirect_vreg.gather [hbm4b:s6+s2], $0x80, v3, vm0, $0xb8;
	[tilespmem:$0x1A200] =	vst v63  }
0x28: {  	s15 =	simm.s32 $0x3A00  }
0x29: {  	[tilespmem:s15], [sflag:$0x1] =	stream.indirect_vreg.gather [hbm4b:s7+s2], $0x80, v3, vm0, $0xb8;
	[tilespmem:$0x1A200] =	vst v63  }
0x2a: {  	v3 =	vld [tilespmem:$0x10];
	_ =	sdelay $0x4  }
0x2b: {  	v31 =	vshll.u32 v3, $0x3  }
0x2c: {  	v3 =	vand.u32 $0x7, v3;
	v4 =	vand.u32 $0xFFFFFFC0, v31  }
0x2d: {  	v3 =	vor.u32 v3, v4  }
0x2e: {  	v4 =	vperm.xlane v3, v0;
	_ =	sdelay $0x1  }
0x2f: {  	v4 =	vadd.s32 v1, v4;
	_ =	sdelay $0x3  }
0x30: {  	s16 =	simm.s32 $0x4200  }
0x31: {  	[tilespmem:s16], [sflag:$0x1] =	stream.indirect_vreg.gather [hbm4b:s3+s2], $0x80, v4, vm0, $0xb8;
	[tilespmem:$0x1A200] =	vst v63  }
0x32: {  	s17 =	simm.s32 $0x4A00;
	v3 =	vperm.xlane v3, v2  }
0x33: {  	[tilespmem:s17], [sflag:$0x1] =	stream.indirect_vreg.gather [hbm4b:s5+s2], $0x80, v4, vm0, $0xb8;
	[tilespmem:$0x1A200] =	vst v63  }
0x34: {  	s18 =	simm.s32 $0x5200;
	v3 =	vadd.s32 v1, v3  }
0x35: {  	[tilespmem:s18], [sflag:$0x1] =	stream.indirect_vreg.gather [hbm4b:s6+s2], $0x80, v4, vm0, $0xb8;
	[tilespmem:$0x1A200] =	vst v63  }
0x36: {  	s19 =	simm.s32 $0x5A00  }
0x37: {  	[tilespmem:s19], [sflag:$0x1] =	stream.indirect_vreg.gather [hbm4b:s7+s2], $0x80, v4, vm0, $0xb8;
	[tilespmem:$0x1A200] =	vst v63  }
0x38: {  	s20 =	simm.s32 $0x6200  }
0x39: {  	[tilespmem:s20], [sflag:$0x1] =	stream.indirect_vreg.gather [hbm4b:s3+s2], $0x80, v3, vm0, $0xb8;
	[tilespmem:$0x1A200] =	vst v63  }
0x3a: {  	s21 =	simm.s32 $0x6A00  }
0x3b: {  	[tilespmem:s21], [sflag:$0x1] =	stream.indirect_vreg.gather [hbm4b:s5+s2], $0x80, v3, vm0, $0xb8;
	[tilespmem:$0x1A200] =	vst v63  }
0x3c: {  	s22 =	simm.s32 $0x7200  }
0x3d: {  	[tilespmem:s22], [sflag:$0x1] =	stream.indirect_vreg.gather [hbm4b:s6+s2], $0x80, v3, vm0, $0xb8;
	[tilespmem:$0x1A200] =	vst v63  }
0x3e: {  	s23 =	simm.s32 $0x7A00  }
0x3f: {  	[tilespmem:s23], [sflag:$0x1] =	stream.indirect_vreg.gather [hbm4b:s7+s2], $0x80, v3, vm0, $0xb8;
	[tilespmem:$0x1A200] =	vst v63  }
0x40: {  	v3 =	vld [tilespmem:$0x20];
	_ =	sdelay $0x4  }
0x41: {  	v32 =	vshll.u32 v3, $0x3  }
0x42: {  	v3 =	vand.u32 $0x7, v3;
	v4 =	vand.u32 $0xFFFFFFC0, v32  }
0x43: {  	v3 =	vor.u32 v3, v4  }
0x44: {  	v4 =	vperm.xlane v3, v0;
	_ =	sdelay $0x1  }
0x45: {  	v4 =	vadd.s32 v1, v4;
	_ =	sdelay $0x3  }
0x46: {  	s24 =	simm.s32 $0x8200  }
0x47: {  	[tilespmem:s24], [sflag:$0x1] =	stream.indirect_vreg.gather [hbm4b:s3+s2], $0x80, v4, vm0, $0xb8;
	[tilespmem:$0x1A200] =	vst v63  }
0x48: {  	s25 =	simm.s32 $0x8A00;
	v3 =	vperm.xlane v3, v2  }
0x49: {  	[tilespmem:s25], [sflag:$0x1] =	stream.indirect_vreg.gather [hbm4b:s5+s2], $0x80, v4, vm0, $0xb8;
	[tilespmem:$0x1A200] =	vst v63  }
0x4a: {  	s26 =	simm.s32 $0x9200;
	v3 =	vadd.s32 v1, v3  }
0x4b: {  	[tilespmem:s26], [sflag:$0x1] =	stream.indirect_vreg.gather [hbm4b:s6+s2], $0x80, v4, vm0, $0xb8;
	[tilespmem:$0x1A200] =	vst v63  }
0x4c: {  	s28 =	simm.s32 $0x9A00  }
0x4d: {  	[tilespmem:s28], [sflag:$0x1] =	stream.indirect_vreg.gather [hbm4b:s7+s2], $0x80, v4, vm0, $0xb8;
	[tilespmem:$0x1A200] =	vst v63  }
0x4e: {  	s29 =	simm.s32 $0xA200  }
0x4f: {  	[tilespmem:s29], [sflag:$0x1] =	stream.indirect_vreg.gather [hbm4b:s3+s2], $0x80, v3, vm0, $0xb8;
	[tilespmem:$0x1A200] =	vst v63  }
0x50: {  	s30 =	simm.s32 $0xAA00  }
0x51: {  	[tilespmem:s30], [sflag:$0x1] =	stream.indirect_vreg.gather [hbm4b:s5+s2], $0x80, v3, vm0, $0xb8;
	[tilespmem:$0x1A200] =	vst v63  }
0x52: {  	s31 =	simm.s32 $0xB200  }
0x53: {  	[tilespmem:s31], [sflag:$0x1] =	stream.indirect_vreg.gather [hbm4b:s6+s2], $0x80, v3, vm0, $0xb8;
	[tilespmem:$0x1A200] =	vst v63  }
0x54: {  	s8 =	simm.s32 $0xBA00  }
0x55: {  	[tilespmem:s8], [sflag:$0x1] =	stream.indirect_vreg.gather [hbm4b:s7+s2], $0x80, v3, vm0, $0xb8;
	[tilespmem:$0x1A200] =	vst v63  }
0x56: {  	v3 =	vld [tilespmem:$0x30];
	_ =	sdelay $0x4  }
0x57: {  	v33 =	vshll.u32 v3, $0x3  }
0x58: {  	v3 =	vand.u32 $0x7, v3;
	v4 =	vand.u32 $0xFFFFFFC0, v33  }
0x59: {  	v3 =	vor.u32 v3, v4  }
0x5a: {  	v4 =	vperm.xlane v3, v0;
	_ =	sdelay $0x1  }
0x5b: {  	v4 =	vadd.s32 v1, v4;
	_ =	sdelay $0x3  }
0x5c: {  	s13 =	simm.s32 $0xC200  }
0x5d: {  	[tilespmem:s13], [sflag:$0x1] =	stream.indirect_vreg.gather [hbm4b:s3+s2], $0x80, v4, vm0, $0xb8;
	[tilespmem:$0x1A200] =	vst v63  }
0x5e: {  	s15 =	simm.s32 $0xCA00;
	v3 =	vperm.xlane v3, v2  }
0x5f: {  	[tilespmem:s15], [sflag:$0x1] =	stream.indirect_vreg.gather [hbm4b:s5+s2], $0x80, v4, vm0, $0xb8;
	[tilespmem:$0x1A200] =	vst v63  }
0x60: {  	s16 =	simm.s32 $0xD200;
	v3 =	vadd.s32 v1, v3  }
0x61: {  	[tilespmem:s16], [sflag:$0x1] =	stream.indirect_vreg.gather [hbm4b:s6+s2], $0x80, v4, vm0, $0xb8;
	[tilespmem:$0x1A200] =	vst v63  }
0x62: {  	s25 =	simm.s32 $0xDA00  }
0x63: {  	[tilespmem:s25], [sflag:$0x1] =	stream.indirect_vreg.gather [hbm4b:s7+s2], $0x80, v4, vm0, $0xb8;
	[tilespmem:$0x1A200] =	vst v63  }
0x64: {  	s26 =	simm.s32 $0xE200  }
0x65: {  	[tilespmem:s26], [sflag:$0x1] =	stream.indirect_vreg.gather [hbm4b:s3+s2], $0x80, v3, vm0, $0xb8;
	[tilespmem:$0x1A200] =	vst v63  }
0x66: {  	s28 =	simm.s32 $0xEA00  }
0x67: {  	[tilespmem:s28], [sflag:$0x1] =	stream.indirect_vreg.gather [hbm4b:s5+s2], $0x80, v3, vm0, $0xb8;
	[tilespmem:$0x1A200] =	vst v63  }
0x68: {  	s29 =	simm.s32 $0xF200  }
0x69: {  	[tilespmem:s29], [sflag:$0x1] =	stream.indirect_vreg.gather [hbm4b:s6+s2], $0x80, v3, vm0, $0xb8;
	[tilespmem:$0x1A200] =	vst v63  }
0x6a: {  	s30 =	simm.s32 $0xFA00  }
0x6b: {  	[tilespmem:s30], [sflag:$0x1] =	stream.indirect_vreg.gather [hbm4b:s7+s2], $0x80, v3, vm0, $0xb8;
	[tilespmem:$0x1A200] =	vst v63  }
0x6c: {  	v3 =	vld [tilespmem:$0x40];
	_ =	sdelay $0x4  }
0x6d: {  	v34 =	vshll.u32 v3, $0x3  }
0x6e: {  	v3 =	vand.u32 $0x7, v3;
	v4 =	vand.u32 $0xFFFFFFC0, v34  }
0x6f: {  	v3 =	vor.u32 v3, v4  }
0x70: {  	v4 =	vperm.xlane v3, v0;
	_ =	sdelay $0x1  }
0x71: {  	v4 =	vadd.s32 v1, v4;
	_ =	sdelay $0x3  }
0x72: {  	s31 =	simm.s32 $0x10200  }
0x73: {  	[tilespmem:s31], [sflag:$0x1] =	stream.indirect_vreg.gather [hbm4b:s3+s2], $0x80, v4, vm0, $0xb8;
	[tilespmem:$0x1A200] =	vst v63  }
0x74: {  	s8 =	simm.s32 $0x10A00;
	v3 =	vperm.xlane v3, v2  }
0x75: {  	[tilespmem:s8], [sflag:$0x1] =	stream.indirect_vreg.gather [hbm4b:s5+s2], $0x80, v4, vm0, $0xb8;
	[tilespmem:$0x1A200] =	vst v63  }
0x76: {  	s13 =	simm.s32 $0x11200;
	v3 =	vadd.s32 v1, v3  }
0x77: {  	[tilespmem:s13], [sflag:$0x1] =	stream.indirect_vreg.gather [hbm4b:s6+s2], $0x80, v4, vm0, $0xb8;
	[tilespmem:$0x1A200] =	vst v63  }
0x78: {  	s15 =	simm.s32 $0x11A00  }
0x79: {  	[tilespmem:s15], [sflag:$0x1] =	stream.indirect_vreg.gather [hbm4b:s7+s2], $0x80, v4, vm0, $0xb8;
	[tilespmem:$0x1A200] =	vst v63  }
0x7a: {  	s16 =	simm.s32 $0x12200  }
0x7b: {  	[tilespmem:s16], [sflag:$0x1] =	stream.indirect_vreg.gather [hbm4b:s3+s2], $0x80, v3, vm0, $0xb8;
	[tilespmem:$0x1A200] =	vst v63  }
0x7c: {  	s29 =	simm.s32 $0x12A00  }
0x7d: {  	[tilespmem:s29], [sflag:$0x1] =	stream.indirect_vreg.gather [hbm4b:s5+s2], $0x80, v3, vm0, $0xb8;
	[tilespmem:$0x1A200] =	vst v63  }
0x7e: {  	s30 =	simm.s32 $0x13200  }
0x7f: {  	[tilespmem:s30], [sflag:$0x1] =	stream.indirect_vreg.gather [hbm4b:s6+s2], $0x80, v3, vm0, $0xb8;
	[tilespmem:$0x1A200] =	vst v63  }
0x80: {  	s31 =	simm.s32 $0x13A00  }
0x81: {  	[tilespmem:s31], [sflag:$0x1] =	stream.indirect_vreg.gather [hbm4b:s7+s2], $0x80, v3, vm0, $0xb8;
	[tilespmem:$0x1A200] =	vst v63  }
0x82: {  	v3 =	vld [tilespmem:$0x50];
	_ =	sdelay $0x4  }
0x83: {  	v35 =	vshll.u32 v3, $0x3  }
0x84: {  	v3 =	vand.u32 $0x7, v3;
	v4 =	vand.u32 $0xFFFFFFC0, v35  }
0x85: {  	v3 =	vor.u32 v3, v4  }
0x86: {  	v4 =	vperm.xlane v3, v0;
	_ =	sdelay $0x1  }
0x87: {  	v4 =	vadd.s32 v1, v4;
	_ =	sdelay $0x3  }
0x88: {  	s8 =	simm.s32 $0x14200  }
0x89: {  	[tilespmem:s8], [sflag:$0x1] =	stream.indirect_vreg.gather [hbm4b:s3+s2], $0x80, v4, vm0, $0xb8;
	[tilespmem:$0x1A200] =	vst v63  }
0x8a: {  	s13 =	simm.s32 $0x14A00;
	v3 =	vperm.xlane v3, v2  }
0x8b: {  	[tilespmem:s13], [sflag:$0x1] =	stream.indirect_vreg.gather [hbm4b:s5+s2], $0x80, v4, vm0, $0xb8;
	[tilespmem:$0x1A200] =	vst v63  }
0x8c: {  	s15 =	simm.s32 $0x15200;
	v3 =	vadd.s32 v1, v3  }
0x8d: {  	[tilespmem:s15], [sflag:$0x1] =	stream.indirect_vreg.gather [hbm4b:s6+s2], $0x80, v4, vm0, $0xb8;
	[tilespmem:$0x1A200] =	vst v63  }
0x8e: {  	s16 =	simm.s32 $0x15A00  }
0x8f: {  	[tilespmem:s16], [sflag:$0x1] =	stream.indirect_vreg.gather [hbm4b:s7+s2], $0x80, v4, vm0, $0xb8;
	[tilespmem:$0x1A200] =	vst v63  }
0x90: {  	s8 =	simm.s32 $0x16200  }
0x91: {  	[tilespmem:s8], [sflag:$0x1] =	stream.indirect_vreg.gather [hbm4b:s3+s2], $0x80, v3, vm0, $0xb8;
	[tilespmem:$0x1A200] =	vst v63  }
0x92: {  	s13 =	simm.s32 $0x16A00  }
0x93: {  	[tilespmem:s13], [sflag:$0x1] =	stream.indirect_vreg.gather [hbm4b:s5+s2], $0x80, v3, vm0, $0xb8;
	[tilespmem:$0x1A200] =	vst v63  }
0x94: {  	s15 =	simm.s32 $0x17200  }
0x95: {  	[tilespmem:s15], [sflag:$0x1] =	stream.indirect_vreg.gather [hbm4b:s6+s2], $0x80, v3, vm0, $0xb8;
	[tilespmem:$0x1A200] =	vst v63  }
0x96: {  	s16 =	simm.s32 $0x17A00  }
0x97: {  	[tilespmem:s16], [sflag:$0x1] =	stream.indirect_vreg.gather [hbm4b:s7+s2], $0x80, v3, vm0, $0xb8;
	[tilespmem:$0x1A200] =	vst v63  }
0x98: {  	v3 =	vld.msk [tilespmem:$0x60], $0xff;
	_ =	sdelay $0x4  }
0x99: {  	v36 =	vshll.u32 v3, $0x3  }
0x9a: {  	v3 =	vand.u32 $0x7, v3;
	v4 =	vand.u32 $0xFFFFFFC0, v36  }
0x9b: {  	v3 =	vor.u32 v3, v4  }
0x9c: {  	v3 =	vperm.xlane v3, v0;
	_ =	sdelay $0x1  }
0x9d: {  	v3 =	vadd.s32 v1, v3;
	_ =	sdelay $0x3  }
0x9e: {  	s8 =	simm.s32 $0x18200  }
0x9f: {  	[tilespmem:s8], [sflag:$0x1] =	stream.indirect_vreg.gather [hbm4b:s3+s2], $0x80, v3, vm0, $0xb8;
	[tilespmem:$0x1A200] =	vst v63  }
0xa0: {  	s13 =	simm.s32 $0x18A00  }
0xa1: {  	[tilespmem:s13], [sflag:$0x1] =	stream.indirect_vreg.gather [hbm4b:s5+s2], $0x80, v3, vm0, $0xb8;
	[tilespmem:$0x1A200] =	vst v63  }
0xa2: {  	s15 =	simm.s32 $0x19200  }
0xa3: {  	[tilespmem:s15], [sflag:$0x1] =	stream.indirect_vreg.gather [hbm4b:s6+s2], $0x80, v3, vm0, $0xb8;
	[tilespmem:$0x1A200] =	vst v63  }
0xa4: {  	s16 =	simm.s32 $0x19A00  }
0xa5: {  	[tilespmem:s16], [sflag:$0x1] =	stream.indirect_vreg.gather [hbm4b:s7+s2], $0x80, v3, vm0, $0xb8;
	[tilespmem:$0x1A200] =	vst v63  }
0xa6: {  	_ =	swait.ge [sflag:s12], $0x1A000  }
0xa7: {  	[sflag:s12] =	ssyncset.done $0x0  }
0xa8: {  	s8 =	simm.s32 $0x200;
	s0 =	rddreg [dreg:$0x8];
	[sflag:s12] =	ssyncadd.s32 $0xFFFE6000  }
0xa9: {  	[hbm4b:s0+s2] =	stream.linear.scatter [tilespmem:s8], [sflag:$0x2], $0x1A000, $0x38;
	[tilespmem:$0x1A200] =	vst v63  }
0xaa: {  	_ =	swait.ge [sflag:s9], $0x1A000  }
0xab: {  	[sflag:s9] =	ssyncset.done $0x0  }
0xac: {  	[sflag:s9] =	ssyncadd.s32 $0xFFFE6000  }
0xad: {  	v3 =	vld [tilespmem:$0x68];
	_ =	sdelay $0x4  }
0xae: {  	v37 =	vshll.u32 v3, $0x3  }
0xaf: {  	v3 =	vand.u32 $0x7, v3;
	v4 =	vand.u32 $0xFFFFFFC0, v37  }
0xb0: {  	v3 =	vor.u32 v3, v4  }
0xb1: {  	v4 =	vperm.xlane v3, v0;
	_ =	sdelay $0x1  }
0xb2: {  	v4 =	vadd.s32 v1, v4;
	_ =	sdelay $0x4  }
0xb3: {  	[tilespmem:s8], [sflag:$0x1] =	stream.indirect_vreg.gather [hbm4b:s3+s2], $0x80, v4, vm0, $0xb8;
	[tilespmem:$0x1A200] =	vst v63  }
0xb4: {  	s15 =	simm.s32 $0xA00;
	v3 =	vperm.xlane v3, v2  }
0xb5: {  	[tilespmem:s15], [sflag:$0x1] =	stream.indirect_vreg.gather [hbm4b:s5+s2], $0x80, v4, vm0, $0xb8;
	[tilespmem:$0x1A200] =	vst v63  }
0xb6: {  	s1 =	simm.s32 $0x1200;
	v3 =	vadd.s32 v1, v3  }
0xb7: {  	[tilespmem:s1], [sflag:$0x1] =	stream.indirect_vreg.gather [hbm4b:s6+s2], $0x80, v4, vm0, $0xb8;
	[tilespmem:$0x1A200] =	vst v63  }
0xb8: {  	s4 =	simm.s32 $0x1A00  }
0xb9: {  	[tilespmem:s4], [sflag:$0x1] =	stream.indirect_vreg.gather [hbm4b:s7+s2], $0x80, v4, vm0, $0xb8;
	[tilespmem:$0x1A200] =	vst v63  }
0xba: {  	s10 =	simm.s32 $0x2200  }
0xbb: {  	[tilespmem:s10], [sflag:$0x1] =	stream.indirect_vreg.gather [hbm4b:s3+s2], $0x80, v3, vm0, $0xb8;
	[tilespmem:$0x1A200] =	vst v63  }
0xbc: {  	s11 =	simm.s32 $0x2A00  }
0xbd: {  	[tilespmem:s11], [sflag:$0x1] =	stream.indirect_vreg.gather [hbm4b:s5+s2], $0x80, v3, vm0, $0xb8;
	[tilespmem:$0x1A200] =	vst v63  }
0xbe: {  	s14 =	simm.s32 $0x3200  }
0xbf: {  	[tilespmem:s14], [sflag:$0x1] =	stream.indirect_vreg.gather [hbm4b:s6+s2], $0x80, v3, vm0, $0xb8;
	[tilespmem:$0x1A200] =	vst v63  }
0xc0: {  	s16 =	simm.s32 $0x3A00  }
0xc1: {  	[tilespmem:s16], [sflag:$0x1] =	stream.indirect_vreg.gather [hbm4b:s7+s2], $0x80, v3, vm0, $0xb8;
	[tilespmem:$0x1A200] =	vst v63  }
0xc2: {  	v3 =	vld [tilespmem:$0x78];
	_ =	sdelay $0x4  }
0xc3: {  	v38 =	vshll.u32 v3, $0x3  }
0xc4: {  	v3 =	vand.u32 $0x7, v3;
	v4 =	vand.u32 $0xFFFFFFC0, v38  }
0xc5: {  	v3 =	vor.u32 v3, v4  }
0xc6: {  	v4 =	vperm.xlane v3, v0;
	_ =	sdelay $0x1  }
0xc7: {  	v4 =	vadd.s32 v1, v4;
	_ =	sdelay $0x3  }
0xc8: {  	s8 =	simm.s32 $0x4200  }
0xc9: {  	[tilespmem:s8], [sflag:$0x1] =	stream.indirect_vreg.gather [hbm4b:s3+s2], $0x80, v4, vm0, $0xb8;
	[tilespmem:$0x1A200] =	vst v63  }
0xca: {  	s14 =	simm.s32 $0x4A00;
	v3 =	vperm.xlane v3, v2  }
0xcb: {  	[tilespmem:s14], [sflag:$0x1] =	stream.indirect_vreg.gather [hbm4b:s5+s2], $0x80, v4, vm0, $0xb8;
	[tilespmem:$0x1A200] =	vst v63  }
0xcc: {  	s17 =	simm.s32 $0x5200;
	v3 =	vadd.s32 v1, v3  }
0xcd: {  	[tilespmem:s17], [sflag:$0x1] =	stream.indirect_vreg.gather [hbm4b:s6+s2], $0x80, v4, vm0, $0xb8;
	[tilespmem:$0x1A200] =	vst v63  }
0xce: {  	s18 =	simm.s32 $0x5A00  }
0xcf: {  	[tilespmem:s18], [sflag:$0x1] =	stream.indirect_vreg.gather [hbm4b:s7+s2], $0x80, v4, vm0, $0xb8;
	[tilespmem:$0x1A200] =	vst v63  }
0xd0: {  	s19 =	simm.s32 $0x6200  }
0xd1: {  	[tilespmem:s19], [sflag:$0x1] =	stream.indirect_vreg.gather [hbm4b:s3+s2], $0x80, v3, vm0, $0xb8;
	[tilespmem:$0x1A200] =	vst v63  }
0xd2: {  	s20 =	simm.s32 $0x6A00  }
0xd3: {  	[tilespmem:s20], [sflag:$0x1] =	stream.indirect_vreg.gather [hbm4b:s5+s2], $0x80, v3, vm0, $0xb8;
	[tilespmem:$0x1A200] =	vst v63  }
0xd4: {  	s21 =	simm.s32 $0x7200  }
0xd5: {  	[tilespmem:s21], [sflag:$0x1] =	stream.indirect_vreg.gather [hbm4b:s6+s2], $0x80, v3, vm0, $0xb8;
	[tilespmem:$0x1A200] =	vst v63  }
0xd6: {  	s1 =	simm.s32 $0x7A00  }
0xd7: {  	[tilespmem:s1], [sflag:$0x1] =	stream.indirect_vreg.gather [hbm4b:s7+s2], $0x80, v3, vm0, $0xb8;
	[tilespmem:$0x1A200] =	vst v63  }
0xd8: {  	v3 =	vld [tilespmem:$0x88];
	_ =	sdelay $0x4  }
0xd9: {  	v39 =	vshll.u32 v3, $0x3  }
0xda: {  	v3 =	vand.u32 $0x7, v3;
	v4 =	vand.u32 $0xFFFFFFC0, v39  }
0xdb: {  	v3 =	vor.u32 v3, v4  }
0xdc: {  	v4 =	vperm.xlane v3, v0;
	_ =	sdelay $0x1  }
0xdd: {  	v4 =	vadd.s32 v1, v4;
	_ =	sdelay $0x3  }
0xde: {  	s20 =	simm.s32 $0x8200  }
0xdf: {  	[tilespmem:s20], [sflag:$0x1] =	stream.indirect_vreg.gather [hbm4b:s3+s2], $0x80, v4, vm0, $0xb8;
	[tilespmem:$0x1A200] =	vst v63  }
0xe0: {  	s21 =	simm.s32 $0x8A00;
	v3 =	vperm.xlane v3, v2  }
0xe1: {  	[tilespmem:s21], [sflag:$0x1] =	stream.indirect_vreg.gather [hbm4b:s5+s2], $0x80, v4, vm0, $0xb8;
	[tilespmem:$0x1A200] =	vst v63  }
0xe2: {  	s10 =	simm.s32 $0x9200;
	v3 =	vadd.s32 v1, v3  }
0xe3: {  	[tilespmem:s10], [sflag:$0x1] =	stream.indirect_vreg.gather [hbm4b:s6+s2], $0x80, v4, vm0, $0xb8;
	[tilespmem:$0x1A200] =	vst v63  }
0xe4: {  	s11 =	simm.s32 $0x9A00  }
0xe5: {  	[tilespmem:s11], [sflag:$0x1] =	stream.indirect_vreg.gather [hbm4b:s7+s2], $0x80, v4, vm0, $0xb8;
	[tilespmem:$0x1A200] =	vst v63  }
0xe6: {  	s4 =	simm.s32 $0xA200  }
0xe7: {  	[tilespmem:s4], [sflag:$0x1] =	stream.indirect_vreg.gather [hbm4b:s3+s2], $0x80, v3, vm0, $0xb8;
	[tilespmem:$0x1A200] =	vst v63  }
0xe8: {  	s10 =	simm.s32 $0xAA00  }
0xe9: {  	[tilespmem:s10], [sflag:$0x1] =	stream.indirect_vreg.gather [hbm4b:s5+s2], $0x80, v3, vm0, $0xb8;
	[tilespmem:$0x1A200] =	vst v63  }
0xea: {  	s17 =	simm.s32 $0xB200  }
0xeb: {  	[tilespmem:s17], [sflag:$0x1] =	stream.indirect_vreg.gather [hbm4b:s6+s2], $0x80, v3, vm0, $0xb8;
	[tilespmem:$0x1A200] =	vst v63  }
0xec: {  	s22 =	simm.s32 $0xBA00  }
0xed: {  	[tilespmem:s22], [sflag:$0x1] =	stream.indirect_vreg.gather [hbm4b:s7+s2], $0x80, v3, vm0, $0xb8;
	[tilespmem:$0x1A200] =	vst v63  }
0xee: {  	v3 =	vld [tilespmem:$0x98];
	_ =	sdelay $0x4  }
0xef: {  	v40 =	vshll.u32 v3, $0x3  }
0xf0: {  	v3 =	vand.u32 $0x7, v3;
	v4 =	vand.u32 $0xFFFFFFC0, v40  }
0xf1: {  	v3 =	vor.u32 v3, v4  }
0xf2: {  	v4 =	vperm.xlane v3, v0;
	_ =	sdelay $0x1  }
0xf3: {  	v4 =	vadd.s32 v1, v4;
	_ =	sdelay $0x3  }
0xf4: {  	s23 =	simm.s32 $0xC200  }
0xf5: {  	[tilespmem:s23], [sflag:$0x1] =	stream.indirect_vreg.gather [hbm4b:s3+s2], $0x80, v4, vm0, $0xb8;
	[tilespmem:$0x1A200] =	vst v63  }
0xf6: {  	s24 =	simm.s32 $0xCA00;
	v3 =	vperm.xlane v3, v2  }
0xf7: {  	[tilespmem:s24], [sflag:$0x1] =	stream.indirect_vreg.gather [hbm4b:s5+s2], $0x80, v4, vm0, $0xb8;
	[tilespmem:$0x1A200] =	vst v63  }
0xf8: {  	s18 =	simm.s32 $0xD200;
	v3 =	vadd.s32 v1, v3  }
0xf9: {  	[tilespmem:s18], [sflag:$0x1] =	stream.indirect_vreg.gather [hbm4b:s6+s2], $0x80, v4, vm0, $0xb8;
	[tilespmem:$0x1A200] =	vst v63  }
0xfa: {  	s19 =	simm.s32 $0xDA00  }
0xfb: {  	[tilespmem:s19], [sflag:$0x1] =	stream.indirect_vreg.gather [hbm4b:s7+s2], $0x80, v4, vm0, $0xb8;
	[tilespmem:$0x1A200] =	vst v63  }
0xfc: {  	s20 =	simm.s32 $0xE200  }
0xfd: {  	[tilespmem:s20], [sflag:$0x1] =	stream.indirect_vreg.gather [hbm4b:s3+s2], $0x80, v3, vm0, $0xb8;
	[tilespmem:$0x1A200] =	vst v63  }
0xfe: {  	s21 =	simm.s32 $0xEA00  }
0xff: {  	[tilespmem:s21], [sflag:$0x1] =	stream.indirect_vreg.gather [hbm4b:s5+s2], $0x80, v3, vm0, $0xb8;
	[tilespmem:$0x1A200] =	vst v63  }
0x100: {  	s22 =	simm.s32 $0xF200  }
0x101: {  	[tilespmem:s22], [sflag:$0x1] =	stream.indirect_vreg.gather [hbm4b:s6+s2], $0x80, v3, vm0, $0xb8;
	[tilespmem:$0x1A200] =	vst v63  }
0x102: {  	s25 =	simm.s32 $0xFA00  }
0x103: {  	[tilespmem:s25], [sflag:$0x1] =	stream.indirect_vreg.gather [hbm4b:s7+s2], $0x80, v3, vm0, $0xb8;
	[tilespmem:$0x1A200] =	vst v63  }
0x104: {  	v3 =	vld [tilespmem:$0xA8];
	_ =	sdelay $0x4  }
0x105: {  	v41 =	vshll.u32 v3, $0x3  }
0x106: {  	v3 =	vand.u32 $0x7, v3;
	v4 =	vand.u32 $0xFFFFFFC0, v41  }
0x107: {  	v3 =	vor.u32 v3, v4  }
0x108: {  	v4 =	vperm.xlane v3, v0;
	_ =	sdelay $0x1  }
0x109: {  	v4 =	vadd.s32 v1, v4;
	_ =	sdelay $0x3  }
0x10a: {  	s26 =	simm.s32 $0x10200  }
0x10b: {  	[tilespmem:s26], [sflag:$0x1] =	stream.indirect_vreg.gather [hbm4b:s3+s2], $0x80, v4, vm0, $0xb8;
	[tilespmem:$0x1A200] =	vst v63  }
0x10c: {  	s28 =	simm.s32 $0x10A00;
	v3 =	vperm.xlane v3, v2  }
0x10d: {  	[tilespmem:s28], [sflag:$0x1] =	stream.indirect_vreg.gather [hbm4b:s5+s2], $0x80, v4, vm0, $0xb8;
	[tilespmem:$0x1A200] =	vst v63  }
0x10e: {  	s23 =	simm.s32 $0x11200;
	v3 =	vadd.s32 v1, v3  }
0x10f: {  	[tilespmem:s23], [sflag:$0x1] =	stream.indirect_vreg.gather [hbm4b:s6+s2], $0x80, v4, vm0, $0xb8;
	[tilespmem:$0x1A200] =	vst v63  }
0x110: {  	s24 =	simm.s32 $0x11A00  }
0x111: {  	[tilespmem:s24], [sflag:$0x1] =	stream.indirect_vreg.gather [hbm4b:s7+s2], $0x80, v4, vm0, $0xb8;
	[tilespmem:$0x1A200] =	vst v63  }
0x112: {  	s25 =	simm.s32 $0x12200  }
0x113: {  	[tilespmem:s25], [sflag:$0x1] =	stream.indirect_vreg.gather [hbm4b:s3+s2], $0x80, v3, vm0, $0xb8;
	[tilespmem:$0x1A200] =	vst v63  }
0x114: {  	s26 =	simm.s32 $0x12A00  }
0x115: {  	[tilespmem:s26], [sflag:$0x1] =	stream.indirect_vreg.gather [hbm4b:s5+s2], $0x80, v3, vm0, $0xb8;
	[tilespmem:$0x1A200] =	vst v63  }
0x116: {  	s28 =	simm.s32 $0x13200  }
0x117: {  	[tilespmem:s28], [sflag:$0x1] =	stream.indirect_vreg.gather [hbm4b:s6+s2], $0x80, v3, vm0, $0xb8;
	[tilespmem:$0x1A200] =	vst v63  }
0x118: {  	s29 =	simm.s32 $0x13A00  }
0x119: {  	[tilespmem:s29], [sflag:$0x1] =	stream.indirect_vreg.gather [hbm4b:s7+s2], $0x80, v3, vm0, $0xb8;
	[tilespmem:$0x1A200] =	vst v63  }
0x11a: {  	v3 =	vld [tilespmem:$0xB8];
	_ =	sdelay $0x4  }
0x11b: {  	v42 =	vshll.u32 v3, $0x3  }
0x11c: {  	v3 =	vand.u32 $0x7, v3;
	v4 =	vand.u32 $0xFFFFFFC0, v42  }
0x11d: {  	v3 =	vor.u32 v3, v4  }
0x11e: {  	v4 =	vperm.xlane v3, v0;
	_ =	sdelay $0x1  }
0x11f: {  	v4 =	vadd.s32 v1, v4;
	_ =	sdelay $0x3  }
0x120: {  	s30 =	simm.s32 $0x14200  }
0x121: {  	[tilespmem:s30], [sflag:$0x1] =	stream.indirect_vreg.gather [hbm4b:s3+s2], $0x80, v4, vm0, $0xb8;
	[tilespmem:$0x1A200] =	vst v63  }
0x122: {  	s31 =	simm.s32 $0x14A00;
	v3 =	vperm.xlane v3, v2  }
0x123: {  	[tilespmem:s31], [sflag:$0x1] =	stream.indirect_vreg.gather [hbm4b:s5+s2], $0x80, v4, vm0, $0xb8;
	[tilespmem:$0x1A200] =	vst v63  }
0x124: {  	s29 =	simm.s32 $0x15200;
	v3 =	vadd.s32 v1, v3  }
0x125: {  	[tilespmem:s29], [sflag:$0x1] =	stream.indirect_vreg.gather [hbm4b:s6+s2], $0x80, v4, vm0, $0xb8;
	[tilespmem:$0x1A200] =	vst v63  }
0x126: {  	s30 =	simm.s32 $0x15A00  }
0x127: {  	[tilespmem:s30], [sflag:$0x1] =	stream.indirect_vreg.gather [hbm4b:s7+s2], $0x80, v4, vm0, $0xb8;
	[tilespmem:$0x1A200] =	vst v63  }
0x128: {  	s31 =	simm.s32 $0x16200  }
0x129: {  	[tilespmem:s31], [sflag:$0x1] =	stream.indirect_vreg.gather [hbm4b:s3+s2], $0x80, v3, vm0, $0xb8;
	[tilespmem:$0x1A200] =	vst v63  }
0x12a: {  	s11 =	simm.s32 $0x16A00  }
0x12b: {  	[tilespmem:s11], [sflag:$0x1] =	stream.indirect_vreg.gather [hbm4b:s5+s2], $0x80, v3, vm0, $0xb8;
	[tilespmem:$0x1A200] =	vst v63  }
0x12c: {  	s14 =	simm.s32 $0x17200  }
0x12d: {  	[tilespmem:s14], [sflag:$0x1] =	stream.indirect_vreg.gather [hbm4b:s6+s2], $0x80, v3, vm0, $0xb8;
	[tilespmem:$0x1A200] =	vst v63  }
0x12e: {  	s13 =	simm.s32 $0x17A00  }
0x12f: {  	[tilespmem:s13], [sflag:$0x1] =	stream.indirect_vreg.gather [hbm4b:s7+s2], $0x80, v3, vm0, $0xb8;
	[tilespmem:$0x1A200] =	vst v63  }
0x130: {  	v3 =	vld.msk [tilespmem:$0xC8], $0xff;
	_ =	sdelay $0x4  }
0x131: {  	v43 =	vshll.u32 v3, $0x3  }
0x132: {  	v3 =	vand.u32 $0x7, v3;
	v4 =	vand.u32 $0xFFFFFFC0, v43  }
0x133: {  	v3 =	vor.u32 v3, v4  }
0x134: {  	v3 =	vperm.xlane v3, v0;
	_ =	sdelay $0x1  }
0x135: {  	v3 =	vadd.s32 v1, v3;
	_ =	sdelay $0x3  }
0x136: {  	s13 =	simm.s32 $0x18200  }
0x137: {  	[tilespmem:s13], [sflag:$0x1] =	stream.indirect_vreg.gather [hbm4b:s3+s2], $0x80, v3, vm0, $0xb8;
	[tilespmem:$0x1A200] =	vst v63  }
0x138: {  	s13 =	simm.s32 $0x18A00  }
0x139: {  	[tilespmem:s13], [sflag:$0x1] =	stream.indirect_vreg.gather [hbm4b:s5+s2], $0x80, v3, vm0, $0xb8;
	[tilespmem:$0x1A200] =	vst v63  }
0x13a: {  	s13 =	simm.s32 $0x19200  }
0x13b: {  	[tilespmem:s13], [sflag:$0x1] =	stream.indirect_vreg.gather [hbm4b:s6+s2], $0x80, v3, vm0, $0xb8;
	[tilespmem:$0x1A200] =	vst v63  }
0x13c: {  	s13 =	simm.s32 $0x19A00  }
0x13d: {  	[tilespmem:s13], [sflag:$0x1] =	stream.indirect_vreg.gather [hbm4b:s7+s2], $0x80, v3, vm0, $0xb8;
	[tilespmem:$0x1A200] =	vst v63  }
0x13e: {  	_ =	swait.ge [sflag:s12], $0x1A000  }
0x13f: {  	[sflag:s12] =	ssyncset.done $0x0  }
0x140: {  	s0 =	simm.s32 $0x200;
	s13 =	rddreg [dreg:$0x4];
	[sflag:s12] =	ssyncadd.s32 $0xFFFE6000  }
0x141: {  	[hbm4b:s13+s2] =	stream.linear.scatter [tilespmem:s0], [sflag:$0x2], $0x1A000, $0x38;
	[tilespmem:$0x1A200] =	vst v63  }
0x142: {  	_ =	swait.ge [sflag:s9], $0x1A000  }
0x143: {  	[sflag:s9] =	ssyncset.done $0x0  }
0x144: {  	[sflag:s9] =	ssyncadd.s32 $0xFFFE6000  }
0x145: {  	v3 =	vld [tilespmem:$0xD0];
	_ =	sdelay $0x4  }
0x146: {  	v44 =	vshll.u32 v3, $0x3  }
0x147: {  	v3 =	vand.u32 $0x7, v3;
	v4 =	vand.u32 $0xFFFFFFC0, v44  }
0x148: {  	v3 =	vor.u32 v3, v4  }
0x149: {  	v4 =	vperm.xlane v3, v0;
	_ =	sdelay $0x1  }
0x14a: {  	v4 =	vadd.s32 v1, v4;
	_ =	sdelay $0x4  }
0x14b: {  	[tilespmem:s0], [sflag:$0x1] =	stream.indirect_vreg.gather [hbm4b:s3+s2], $0x80, v4, vm0, $0xb8;
	[tilespmem:$0x1A200] =	vst v63  }
0x14c: {  	v3 =	vperm.xlane v3, v2  }
0x14d: {  	[tilespmem:s15], [sflag:$0x1] =	stream.indirect_vreg.gather [hbm4b:s5+s2], $0x80, v4, vm0, $0xb8;
	[tilespmem:$0x1A200] =	vst v63  }
0x14e: {  	s13 =	simm.s32 $0x1200;
	v3 =	vadd.s32 v1, v3  }
0x14f: {  	[tilespmem:s13], [sflag:$0x1] =	stream.indirect_vreg.gather [hbm4b:s6+s2], $0x80, v4, vm0, $0xb8;
	[tilespmem:$0x1A200] =	vst v63  }
0x150: {  	s15 =	simm.s32 $0x1A00  }
0x151: {  	[tilespmem:s15], [sflag:$0x1] =	stream.indirect_vreg.gather [hbm4b:s7+s2], $0x80, v4, vm0, $0xb8;
	[tilespmem:$0x1A200] =	vst v63  }
0x152: {  	s13 =	simm.s32 $0x2200  }
0x153: {  	[tilespmem:s13], [sflag:$0x1] =	stream.indirect_vreg.gather [hbm4b:s3+s2], $0x80, v3, vm0, $0xb8;
	[tilespmem:$0x1A200] =	vst v63  }
0x154: {  	s15 =	simm.s32 $0x2A00  }
0x155: {  	[tilespmem:s15], [sflag:$0x1] =	stream.indirect_vreg.gather [hbm4b:s5+s2], $0x80, v3, vm0, $0xb8;
	[tilespmem:$0x1A200] =	vst v63  }
0x156: {  	s13 =	simm.s32 $0x3200  }
0x157: {  	[tilespmem:s13], [sflag:$0x1] =	stream.indirect_vreg.gather [hbm4b:s6+s2], $0x80, v3, vm0, $0xb8;
	[tilespmem:$0x1A200] =	vst v63  }
0x158: {  	_ = 	snop  }
0x159: {  	[tilespmem:s16], [sflag:$0x1] =	stream.indirect_vreg.gather [hbm4b:s7+s2], $0x80, v3, vm0, $0xb8;
	[tilespmem:$0x1A200] =	vst v63  }
0x15a: {  	v3 =	vld [tilespmem:$0xE0];
	_ =	sdelay $0x4  }
0x15b: {  	v45 =	vshll.u32 v3, $0x3  }
0x15c: {  	v3 =	vand.u32 $0x7, v3;
	v4 =	vand.u32 $0xFFFFFFC0, v45  }
0x15d: {  	v3 =	vor.u32 v3, v4  }
0x15e: {  	v4 =	vperm.xlane v3, v0;
	_ =	sdelay $0x1  }
0x15f: {  	v4 =	vadd.s32 v1, v4;
	_ =	sdelay $0x4  }
0x160: {  	[tilespmem:s8], [sflag:$0x1] =	stream.indirect_vreg.gather [hbm4b:s3+s2], $0x80, v4, vm0, $0xb8;
	[tilespmem:$0x1A200] =	vst v63  }
0x161: {  	s15 =	simm.s32 $0x4A00;
	v3 =	vperm.xlane v3, v2  }
0x162: {  	[tilespmem:s15], [sflag:$0x1] =	stream.indirect_vreg.gather [hbm4b:s5+s2], $0x80, v4, vm0, $0xb8;
	[tilespmem:$0x1A200] =	vst v63  }
0x163: {  	s16 =	simm.s32 $0x5200;
	v3 =	vadd.s32 v1, v3  }
0x164: {  	[tilespmem:s16], [sflag:$0x1] =	stream.indirect_vreg.gather [hbm4b:s6+s2], $0x80, v4, vm0, $0xb8;
	[tilespmem:$0x1A200] =	vst v63  }
0x165: {  	s8 =	simm.s32 $0x5A00  }
0x166: {  	[tilespmem:s8], [sflag:$0x1] =	stream.indirect_vreg.gather [hbm4b:s7+s2], $0x80, v4, vm0, $0xb8;
	[tilespmem:$0x1A200] =	vst v63  }
0x167: {  	s13 =	simm.s32 $0x6200  }
0x168: {  	[tilespmem:s13], [sflag:$0x1] =	stream.indirect_vreg.gather [hbm4b:s3+s2], $0x80, v3, vm0, $0xb8;
	[tilespmem:$0x1A200] =	vst v63  }
0x169: {  	s15 =	simm.s32 $0x6A00  }
0x16a: {  	[tilespmem:s15], [sflag:$0x1] =	stream.indirect_vreg.gather [hbm4b:s5+s2], $0x80, v3, vm0, $0xb8;
	[tilespmem:$0x1A200] =	vst v63  }
0x16b: {  	s16 =	simm.s32 $0x7200  }
0x16c: {  	[tilespmem:s16], [sflag:$0x1] =	stream.indirect_vreg.gather [hbm4b:s6+s2], $0x80, v3, vm0, $0xb8;
	[tilespmem:$0x1A200] =	vst v63  }
0x16d: {  	_ = 	snop  }
0x16e: {  	[tilespmem:s1], [sflag:$0x1] =	stream.indirect_vreg.gather [hbm4b:s7+s2], $0x80, v3, vm0, $0xb8;
	[tilespmem:$0x1A200] =	vst v63  }
0x16f: {  	v3 =	vld [tilespmem:$0xF0];
	_ =	sdelay $0x4  }
0x170: {  	v46 =	vshll.u32 v3, $0x3  }
0x171: {  	v3 =	vand.u32 $0x7, v3;
	v4 =	vand.u32 $0xFFFFFFC0, v46  }
0x172: {  	v3 =	vor.u32 v3, v4  }
0x173: {  	v4 =	vperm.xlane v3, v0;
	_ =	sdelay $0x1  }
0x174: {  	v4 =	vadd.s32 v1, v4;
	_ =	sdelay $0x3  }
0x175: {  	s8 =	simm.s32 $0x8200  }
0x176: {  	[tilespmem:s8], [sflag:$0x1] =	stream.indirect_vreg.gather [hbm4b:s3+s2], $0x80, v4, vm0, $0xb8;
	[tilespmem:$0x1A200] =	vst v63  }
0x177: {  	s13 =	simm.s32 $0x8A00;
	v3 =	vperm.xlane v3, v2  }
0x178: {  	[tilespmem:s13], [sflag:$0x1] =	stream.indirect_vreg.gather [hbm4b:s5+s2], $0x80, v4, vm0, $0xb8;
	[tilespmem:$0x1A200] =	vst v63  }
0x179: {  	s15 =	simm.s32 $0x9200;
	v3 =	vadd.s32 v1, v3  }
0x17a: {  	[tilespmem:s15], [sflag:$0x1] =	stream.indirect_vreg.gather [hbm4b:s6+s2], $0x80, v4, vm0, $0xb8;
	[tilespmem:$0x1A200] =	vst v63  }
0x17b: {  	s16 =	simm.s32 $0x9A00  }
0x17c: {  	[tilespmem:s16], [sflag:$0x1] =	stream.indirect_vreg.gather [hbm4b:s7+s2], $0x80, v4, vm0, $0xb8;
	[tilespmem:$0x1A200] =	vst v63  }
0x17d: {  	_ = 	snop  }
0x17e: {  	[tilespmem:s4], [sflag:$0x1] =	stream.indirect_vreg.gather [hbm4b:s3+s2], $0x80, v3, vm0, $0xb8;
	[tilespmem:$0x1A200] =	vst v63  }
0x17f: {  	_ = 	snop  }
0x180: {  	[tilespmem:s10], [sflag:$0x1] =	stream.indirect_vreg.gather [hbm4b:s5+s2], $0x80, v3, vm0, $0xb8;
	[tilespmem:$0x1A200] =	vst v63  }
0x181: {  	_ = 	snop  }
0x182: {  	[tilespmem:s17], [sflag:$0x1] =	stream.indirect_vreg.gather [hbm4b:s6+s2], $0x80, v3, vm0, $0xb8;
	[tilespmem:$0x1A200] =	vst v63  }
0x183: {  	s1 =	simm.s32 $0xBA00  }
0x184: {  	[tilespmem:s1], [sflag:$0x1] =	stream.indirect_vreg.gather [hbm4b:s7+s2], $0x80, v3, vm0, $0xb8;
	[tilespmem:$0x1A200] =	vst v63  }
0x185: {  	v3 =	vld [tilespmem:$0x100];
	_ =	sdelay $0x4  }
0x186: {  	v47 =	vshll.u32 v3, $0x3  }
0x187: {  	v3 =	vand.u32 $0x7, v3;
	v4 =	vand.u32 $0xFFFFFFC0, v47  }
0x188: {  	v3 =	vor.u32 v3, v4  }
0x189: {  	v4 =	vperm.xlane v3, v0;
	_ =	sdelay $0x1  }
0x18a: {  	v4 =	vadd.s32 v1, v4;
	_ =	sdelay $0x3  }
0x18b: {  	s4 =	simm.s32 $0xC200  }
0x18c: {  	[tilespmem:s4], [sflag:$0x1] =	stream.indirect_vreg.gather [hbm4b:s3+s2], $0x80, v4, vm0, $0xb8;
	[tilespmem:$0x1A200] =	vst v63  }
0x18d: {  	s13 =	simm.s32 $0xCA00;
	v3 =	vperm.xlane v3, v2  }
0x18e: {  	[tilespmem:s13], [sflag:$0x1] =	stream.indirect_vreg.gather [hbm4b:s5+s2], $0x80, v4, vm0, $0xb8;
	[tilespmem:$0x1A200] =	vst v63  }
0x18f: {  	v3 =	vadd.s32 v1, v3  }
0x190: {  	[tilespmem:s18], [sflag:$0x1] =	stream.indirect_vreg.gather [hbm4b:s6+s2], $0x80, v4, vm0, $0xb8;
	[tilespmem:$0x1A200] =	vst v63  }
0x191: {  	_ = 	snop  }
0x192: {  	[tilespmem:s19], [sflag:$0x1] =	stream.indirect_vreg.gather [hbm4b:s7+s2], $0x80, v4, vm0, $0xb8;
	[tilespmem:$0x1A200] =	vst v63  }
0x193: {  	_ = 	snop  }
0x194: {  	[tilespmem:s20], [sflag:$0x1] =	stream.indirect_vreg.gather [hbm4b:s3+s2], $0x80, v3, vm0, $0xb8;
	[tilespmem:$0x1A200] =	vst v63  }
0x195: {  	_ = 	snop  }
0x196: {  	[tilespmem:s21], [sflag:$0x1] =	stream.indirect_vreg.gather [hbm4b:s5+s2], $0x80, v3, vm0, $0xb8;
	[tilespmem:$0x1A200] =	vst v63  }
0x197: {  	_ = 	snop  }
0x198: {  	[tilespmem:s22], [sflag:$0x1] =	stream.indirect_vreg.gather [hbm4b:s6+s2], $0x80, v3, vm0, $0xb8;
	[tilespmem:$0x1A200] =	vst v63  }
0x199: {  	s1 =	simm.s32 $0xFA00  }
0x19a: {  	[tilespmem:s1], [sflag:$0x1] =	stream.indirect_vreg.gather [hbm4b:s7+s2], $0x80, v3, vm0, $0xb8;
	[tilespmem:$0x1A200] =	vst v63  }
0x19b: {  	v3 =	vld [tilespmem:$0x110];
	_ =	sdelay $0x4  }
0x19c: {  	v48 =	vshll.u32 v3, $0x3  }
0x19d: {  	v3 =	vand.u32 $0x7, v3;
	v4 =	vand.u32 $0xFFFFFFC0, v48  }
0x19e: {  	v3 =	vor.u32 v3, v4  }
0x19f: {  	v4 =	vperm.xlane v3, v0;
	_ =	sdelay $0x1  }
0x1a0: {  	v4 =	vadd.s32 v1, v4;
	_ =	sdelay $0x3  }
0x1a1: {  	s4 =	simm.s32 $0x10200  }
0x1a2: {  	[tilespmem:s4], [sflag:$0x1] =	stream.indirect_vreg.gather [hbm4b:s3+s2], $0x80, v4, vm0, $0xb8;
	[tilespmem:$0x1A200] =	vst v63  }
0x1a3: {  	s13 =	simm.s32 $0x10A00;
	v3 =	vperm.xlane v3, v2  }
0x1a4: {  	[tilespmem:s13], [sflag:$0x1] =	stream.indirect_vreg.gather [hbm4b:s5+s2], $0x80, v4, vm0, $0xb8;
	[tilespmem:$0x1A200] =	vst v63  }
0x1a5: {  	v3 =	vadd.s32 v1, v3  }
0x1a6: {  	[tilespmem:s23], [sflag:$0x1] =	stream.indirect_vreg.gather [hbm4b:s6+s2], $0x80, v4, vm0, $0xb8;
	[tilespmem:$0x1A200] =	vst v63  }
0x1a7: {  	_ = 	snop  }
0x1a8: {  	[tilespmem:s24], [sflag:$0x1] =	stream.indirect_vreg.gather [hbm4b:s7+s2], $0x80, v4, vm0, $0xb8;
	[tilespmem:$0x1A200] =	vst v63  }
0x1a9: {  	_ = 	snop  }
0x1aa: {  	[tilespmem:s25], [sflag:$0x1] =	stream.indirect_vreg.gather [hbm4b:s3+s2], $0x80, v3, vm0, $0xb8;
	[tilespmem:$0x1A200] =	vst v63  }
0x1ab: {  	_ = 	snop  }
0x1ac: {  	[tilespmem:s26], [sflag:$0x1] =	stream.indirect_vreg.gather [hbm4b:s5+s2], $0x80, v3, vm0, $0xb8;
	[tilespmem:$0x1A200] =	vst v63  }
0x1ad: {  	_ = 	snop  }
0x1ae: {  	[tilespmem:s28], [sflag:$0x1] =	stream.indirect_vreg.gather [hbm4b:s6+s2], $0x80, v3, vm0, $0xb8;
	[tilespmem:$0x1A200] =	vst v63  }
0x1af: {  	s1 =	simm.s32 $0x13A00  }
0x1b0: {  	[tilespmem:s1], [sflag:$0x1] =	stream.indirect_vreg.gather [hbm4b:s7+s2], $0x80, v3, vm0, $0xb8;
	[tilespmem:$0x1A200] =	vst v63  }
0x1b1: {  	v3 =	vld [tilespmem:$0x120];
	_ =	sdelay $0x4  }
0x1b2: {  	v49 =	vshll.u32 v3, $0x3  }
0x1b3: {  	v3 =	vand.u32 $0x7, v3;
	v4 =	vand.u32 $0xFFFFFFC0, v49  }
0x1b4: {  	v3 =	vor.u32 v3, v4  }
0x1b5: {  	v4 =	vperm.xlane v3, v0;
	_ =	sdelay $0x1  }
0x1b6: {  	v4 =	vadd.s32 v1, v4;
	_ =	sdelay $0x3  }
0x1b7: {  	s4 =	simm.s32 $0x14200  }
0x1b8: {  	[tilespmem:s4], [sflag:$0x1] =	stream.indirect_vreg.gather [hbm4b:s3+s2], $0x80, v4, vm0, $0xb8;
	[tilespmem:$0x1A200] =	vst v63  }
0x1b9: {  	s13 =	simm.s32 $0x14A00;
	v3 =	vperm.xlane v3, v2  }
0x1ba: {  	[tilespmem:s13], [sflag:$0x1] =	stream.indirect_vreg.gather [hbm4b:s5+s2], $0x80, v4, vm0, $0xb8;
	[tilespmem:$0x1A200] =	vst v63  }
0x1bb: {  	v3 =	vadd.s32 v1, v3  }
0x1bc: {  	[tilespmem:s29], [sflag:$0x1] =	stream.indirect_vreg.gather [hbm4b:s6+s2], $0x80, v4, vm0, $0xb8;
	[tilespmem:$0x1A200] =	vst v63  }
0x1bd: {  	_ = 	snop  }
0x1be: {  	[tilespmem:s30], [sflag:$0x1] =	stream.indirect_vreg.gather [hbm4b:s7+s2], $0x80, v4, vm0, $0xb8;
	[tilespmem:$0x1A200] =	vst v63  }
0x1bf: {  	_ = 	snop  }
0x1c0: {  	[tilespmem:s31], [sflag:$0x1] =	stream.indirect_vreg.gather [hbm4b:s3+s2], $0x80, v3, vm0, $0xb8;
	[tilespmem:$0x1A200] =	vst v63  }
0x1c1: {  	_ = 	snop  }
0x1c2: {  	[tilespmem:s11], [sflag:$0x1] =	stream.indirect_vreg.gather [hbm4b:s5+s2], $0x80, v3, vm0, $0xb8;
	[tilespmem:$0x1A200] =	vst v63  }
0x1c3: {  	_ = 	snop  }
0x1c4: {  	[tilespmem:s14], [sflag:$0x1] =	stream.indirect_vreg.gather [hbm4b:s6+s2], $0x80, v3, vm0, $0xb8;
	[tilespmem:$0x1A200] =	vst v63  }
0x1c5: {  	s14 =	simm.s32 $0x17A00  }
0x1c6: {  	[tilespmem:s14], [sflag:$0x1] =	stream.indirect_vreg.gather [hbm4b:s7+s2], $0x80, v3, vm0, $0xb8;
	[tilespmem:$0x1A200] =	vst v63  }
0x1c7: {  	v3 =	vld.msk [tilespmem:$0x130], $0xff;
	_ =	sdelay $0x4  }
0x1c8: {  	v50 =	vshll.u32 v3, $0x3  }
0x1c9: {  	v3 =	vand.u32 $0x7, v3;
	v4 =	vand.u32 $0xFFFFFFC0, v50  }
0x1ca: {  	v3 =	vor.u32 v3, v4  }
0x1cb: {  	v3 =	vperm.xlane v3, v0;
	_ =	sdelay $0x1  }
0x1cc: {  	v3 =	vadd.s32 v1, v3;
	_ =	sdelay $0x3  }
0x1cd: {  	s1 =	simm.s32 $0x18200  }
0x1ce: {  	[tilespmem:s1], [sflag:$0x1] =	stream.indirect_vreg.gather [hbm4b:s3+s2], $0x80, v3, vm0, $0xb8;
	[tilespmem:$0x1A200] =	vst v63  }
0x1cf: {  	s4 =	simm.s32 $0x18A00  }
0x1d0: {  	[tilespmem:s4], [sflag:$0x1] =	stream.indirect_vreg.gather [hbm4b:s5+s2], $0x80, v3, vm0, $0xb8;
	[tilespmem:$0x1A200] =	vst v63  }
0x1d1: {  	s0 =	simm.s32 $0x19200  }
0x1d2: {  	[tilespmem:s0], [sflag:$0x1] =	stream.indirect_vreg.gather [hbm4b:s6+s2], $0x80, v3, vm0, $0xb8;
	[tilespmem:$0x1A200] =	vst v63  }
0x1d3: {  	s13 =	simm.s32 $0x19A00  }
0x1d4: {  	[tilespmem:s13], [sflag:$0x1] =	stream.indirect_vreg.gather [hbm4b:s7+s2], $0x80, v3, vm0, $0xb8;
	[tilespmem:$0x1A200] =	vst v63  }
0x1d5: {  	_ =	swait.ge [sflag:s12], $0x1A000  }
0x1d6: {  	[sflag:s12] =	ssyncset.done $0x0  }
0x1d7: {  	s4 =	simm.s32 $0x200;
	s13 =	rddreg [dreg:$0x5];
	[sflag:s12] =	ssyncadd.s32 $0xFFFE6000  }
0x1d8: {  	[hbm4b:s13+s2] =	stream.linear.scatter [tilespmem:s4], [sflag:$0x2], $0x1A000, $0x38;
	[tilespmem:$0x1A200] =	vst v63  }
0x1d9: {  	_ =	swait.ge [sflag:s9], $0x1A000  }
0x1da: {  	[sflag:s9] =	ssyncset.done $0x0  }
0x1db: {  	[sflag:s9] =	ssyncadd.s32 $0xFFFE6000  }
0x1dc: {  	v3 =	vld [tilespmem:$0x138];
	_ =	sdelay $0x4  }
0x1dd: {  	v51 =	vshll.u32 v3, $0x3  }
0x1de: {  	v3 =	vand.u32 $0x7, v3;
	v4 =	vand.u32 $0xFFFFFFC0, v51  }
0x1df: {  	v3 =	vor.u32 v3, v4  }
0x1e0: {  	v4 =	vperm.xlane v3, v0;
	_ =	sdelay $0x1  }
0x1e1: {  	v4 =	vadd.s32 v1, v4;
	_ =	sdelay $0x4  }
0x1e2: {  	[tilespmem:s4], [sflag:$0x1] =	stream.indirect_vreg.gather [hbm4b:s3+s2], $0x80, v4, vm0, $0xb8;
	[tilespmem:$0x1A200] =	vst v63  }
0x1e3: {  	s13 =	simm.s32 $0xA00;
	v3 =	vperm.xlane v3, v2  }
0x1e4: {  	[tilespmem:s13], [sflag:$0x1] =	stream.indirect_vreg.gather [hbm4b:s5+s2], $0x80, v4, vm0, $0xb8;
	[tilespmem:$0x1A200] =	vst v63  }
0x1e5: {  	v3 =	vadd.s32 v1, v3;
	s13 =	simm.s32 $0x1200  }
0x1e6: {  	[tilespmem:s13], [sflag:$0x1] =	stream.indirect_vreg.gather [hbm4b:s6+s2], $0x80, v4, vm0, $0xb8;
	[tilespmem:$0x1A200] =	vst v63  }
0x1e7: {  	s13 =	simm.s32 $0x1A00  }
0x1e8: {  	[tilespmem:s13], [sflag:$0x1] =	stream.indirect_vreg.gather [hbm4b:s7+s2], $0x80, v4, vm0, $0xb8;
	[tilespmem:$0x1A200] =	vst v63  }
0x1e9: {  	s13 =	simm.s32 $0x2200  }
0x1ea: {  	[tilespmem:s13], [sflag:$0x1] =	stream.indirect_vreg.gather [hbm4b:s3+s2], $0x80, v3, vm0, $0xb8;
	[tilespmem:$0x1A200] =	vst v63  }
0x1eb: {  	s13 =	simm.s32 $0x2A00  }
0x1ec: {  	[tilespmem:s13], [sflag:$0x1] =	stream.indirect_vreg.gather [hbm4b:s5+s2], $0x80, v3, vm0, $0xb8;
	[tilespmem:$0x1A200] =	vst v63  }
0x1ed: {  	s13 =	simm.s32 $0x3200  }
0x1ee: {  	[tilespmem:s13], [sflag:$0x1] =	stream.indirect_vreg.gather [hbm4b:s6+s2], $0x80, v3, vm0, $0xb8;
	[tilespmem:$0x1A200] =	vst v63  }
0x1ef: {  	s13 =	simm.s32 $0x3A00  }
0x1f0: {  	[tilespmem:s13], [sflag:$0x1] =	stream.indirect_vreg.gather [hbm4b:s7+s2], $0x80, v3, vm0, $0xb8;
	[tilespmem:$0x1A200] =	vst v63  }
0x1f1: {  	v3 =	vld [tilespmem:$0x148];
	_ =	sdelay $0x4  }
0x1f2: {  	v52 =	vshll.u32 v3, $0x3  }
0x1f3: {  	v3 =	vand.u32 $0x7, v3;
	v4 =	vand.u32 $0xFFFFFFC0, v52  }
0x1f4: {  	v3 =	vor.u32 v3, v4  }
0x1f5: {  	v4 =	vperm.xlane v3, v0;
	_ =	sdelay $0x1  }
0x1f6: {  	v4 =	vadd.s32 v1, v4;
	_ =	sdelay $0x3  }
0x1f7: {  	s13 =	simm.s32 $0x4200  }
0x1f8: {  	[tilespmem:s13], [sflag:$0x1] =	stream.indirect_vreg.gather [hbm4b:s3+s2], $0x80, v4, vm0, $0xb8;
	[tilespmem:$0x1A200] =	vst v63  }
0x1f9: {  	v3 =	vperm.xlane v3, v2;
	s13 =	simm.s32 $0x4A00  }
0x1fa: {  	[tilespmem:s13], [sflag:$0x1] =	stream.indirect_vreg.gather [hbm4b:s5+s2], $0x80, v4, vm0, $0xb8;
	[tilespmem:$0x1A200] =	vst v63  }
0x1fb: {  	v3 =	vadd.s32 v1, v3;
	s13 =	simm.s32 $0x5200  }
0x1fc: {  	[tilespmem:s13], [sflag:$0x1] =	stream.indirect_vreg.gather [hbm4b:s6+s2], $0x80, v4, vm0, $0xb8;
	[tilespmem:$0x1A200] =	vst v63  }
0x1fd: {  	s13 =	simm.s32 $0x5A00  }
0x1fe: {  	[tilespmem:s13], [sflag:$0x1] =	stream.indirect_vreg.gather [hbm4b:s7+s2], $0x80, v4, vm0, $0xb8;
	[tilespmem:$0x1A200] =	vst v63  }
0x1ff: {  	s13 =	simm.s32 $0x6200  }
0x200: {  	[tilespmem:s13], [sflag:$0x1] =	stream.indirect_vreg.gather [hbm4b:s3+s2], $0x80, v3, vm0, $0xb8;
	[tilespmem:$0x1A200] =	vst v63  }
0x201: {  	s13 =	simm.s32 $0x6A00  }
0x202: {  	[tilespmem:s13], [sflag:$0x1] =	stream.indirect_vreg.gather [hbm4b:s5+s2], $0x80, v3, vm0, $0xb8;
	[tilespmem:$0x1A200] =	vst v63  }
0x203: {  	s13 =	simm.s32 $0x7200  }
0x204: {  	[tilespmem:s13], [sflag:$0x1] =	stream.indirect_vreg.gather [hbm4b:s6+s2], $0x80, v3, vm0, $0xb8;
	[tilespmem:$0x1A200] =	vst v63  }
0x205: {  	s13 =	simm.s32 $0x7A00  }
0x206: {  	[tilespmem:s13], [sflag:$0x1] =	stream.indirect_vreg.gather [hbm4b:s7+s2], $0x80, v3, vm0, $0xb8;
	[tilespmem:$0x1A200] =	vst v63  }
0x207: {  	v3 =	vld [tilespmem:$0x158];
	_ =	sdelay $0x4  }
0x208: {  	v53 =	vshll.u32 v3, $0x3  }
0x209: {  	v3 =	vand.u32 $0x7, v3;
	v4 =	vand.u32 $0xFFFFFFC0, v53  }
0x20a: {  	v3 =	vor.u32 v3, v4  }
0x20b: {  	v4 =	vperm.xlane v3, v0;
	_ =	sdelay $0x1  }
0x20c: {  	v4 =	vadd.s32 v1, v4;
	_ =	sdelay $0x3  }
0x20d: {  	s13 =	simm.s32 $0x8200  }
0x20e: {  	[tilespmem:s13], [sflag:$0x1] =	stream.indirect_vreg.gather [hbm4b:s3+s2], $0x80, v4, vm0, $0xb8;
	[tilespmem:$0x1A200] =	vst v63  }
0x20f: {  	v3 =	vperm.xlane v3, v2;
	s13 =	simm.s32 $0x8A00  }
0x210: {  	[tilespmem:s13], [sflag:$0x1] =	stream.indirect_vreg.gather [hbm4b:s5+s2], $0x80, v4, vm0, $0xb8;
	[tilespmem:$0x1A200] =	vst v63  }
0x211: {  	s8 =	simm.s32 $0x9200;
	v3 =	vadd.s32 v1, v3  }
0x212: {  	[tilespmem:s8], [sflag:$0x1] =	stream.indirect_vreg.gather [hbm4b:s6+s2], $0x80, v4, vm0, $0xb8;
	[tilespmem:$0x1A200] =	vst v63  }
0x213: {  	s15 =	simm.s32 $0x9A00  }
0x214: {  	[tilespmem:s15], [sflag:$0x1] =	stream.indirect_vreg.gather [hbm4b:s7+s2], $0x80, v4, vm0, $0xb8;
	[tilespmem:$0x1A200] =	vst v63  }
0x215: {  	s16 =	simm.s32 $0xA200  }
0x216: {  	[tilespmem:s16], [sflag:$0x1] =	stream.indirect_vreg.gather [hbm4b:s3+s2], $0x80, v3, vm0, $0xb8;
	[tilespmem:$0x1A200] =	vst v63  }
0x217: {  	s10 =	simm.s32 $0xAA00  }
0x218: {  	[tilespmem:s10], [sflag:$0x1] =	stream.indirect_vreg.gather [hbm4b:s5+s2], $0x80, v3, vm0, $0xb8;
	[tilespmem:$0x1A200] =	vst v63  }
0x219: {  	s17 =	simm.s32 $0xB200  }
0x21a: {  	[tilespmem:s17], [sflag:$0x1] =	stream.indirect_vreg.gather [hbm4b:s6+s2], $0x80, v3, vm0, $0xb8;
	[tilespmem:$0x1A200] =	vst v63  }
0x21b: {  	s17 =	simm.s32 $0xBA00  }
0x21c: {  	[tilespmem:s17], [sflag:$0x1] =	stream.indirect_vreg.gather [hbm4b:s7+s2], $0x80, v3, vm0, $0xb8;
	[tilespmem:$0x1A200] =	vst v63  }
0x21d: {  	v3 =	vld [tilespmem:$0x168];
	_ =	sdelay $0x4  }
0x21e: {  	v54 =	vshll.u32 v3, $0x3  }
0x21f: {  	v3 =	vand.u32 $0x7, v3;
	v4 =	vand.u32 $0xFFFFFFC0, v54  }
0x220: {  	v3 =	vor.u32 v3, v4  }
0x221: {  	v4 =	vperm.xlane v3, v0;
	_ =	sdelay $0x1  }
0x222: {  	v4 =	vadd.s32 v1, v4;
	_ =	sdelay $0x3  }
0x223: {  	s17 =	simm.s32 $0xC200  }
0x224: {  	[tilespmem:s17], [sflag:$0x1] =	stream.indirect_vreg.gather [hbm4b:s3+s2], $0x80, v4, vm0, $0xb8;
	[tilespmem:$0x1A200] =	vst v63  }
0x225: {  	v3 =	vperm.xlane v3, v2;
	s17 =	simm.s32 $0xCA00  }
0x226: {  	[tilespmem:s17], [sflag:$0x1] =	stream.indirect_vreg.gather [hbm4b:s5+s2], $0x80, v4, vm0, $0xb8;
	[tilespmem:$0x1A200] =	vst v63  }
0x227: {  	s18 =	simm.s32 $0xD200;
	v3 =	vadd.s32 v1, v3  }
0x228: {  	[tilespmem:s18], [sflag:$0x1] =	stream.indirect_vreg.gather [hbm4b:s6+s2], $0x80, v4, vm0, $0xb8;
	[tilespmem:$0x1A200] =	vst v63  }
0x229: {  	s19 =	simm.s32 $0xDA00  }
0x22a: {  	[tilespmem:s19], [sflag:$0x1] =	stream.indirect_vreg.gather [hbm4b:s7+s2], $0x80, v4, vm0, $0xb8;
	[tilespmem:$0x1A200] =	vst v63  }
0x22b: {  	s20 =	simm.s32 $0xE200  }
0x22c: {  	[tilespmem:s20], [sflag:$0x1] =	stream.indirect_vreg.gather [hbm4b:s3+s2], $0x80, v3, vm0, $0xb8;
	[tilespmem:$0x1A200] =	vst v63  }
0x22d: {  	s21 =	simm.s32 $0xEA00  }
0x22e: {  	[tilespmem:s21], [sflag:$0x1] =	stream.indirect_vreg.gather [hbm4b:s5+s2], $0x80, v3, vm0, $0xb8;
	[tilespmem:$0x1A200] =	vst v63  }
0x22f: {  	s22 =	simm.s32 $0xF200  }
0x230: {  	[tilespmem:s22], [sflag:$0x1] =	stream.indirect_vreg.gather [hbm4b:s6+s2], $0x80, v3, vm0, $0xb8;
	[tilespmem:$0x1A200] =	vst v63  }
0x231: {  	s22 =	simm.s32 $0xFA00  }
0x232: {  	[tilespmem:s22], [sflag:$0x1] =	stream.indirect_vreg.gather [hbm4b:s7+s2], $0x80, v3, vm0, $0xb8;
	[tilespmem:$0x1A200] =	vst v63  }
0x233: {  	v3 =	vld [tilespmem:$0x178];
	_ =	sdelay $0x4  }
0x234: {  	v55 =	vshll.u32 v3, $0x3  }
0x235: {  	v3 =	vand.u32 $0x7, v3;
	v4 =	vand.u32 $0xFFFFFFC0, v55  }
0x236: {  	v3 =	vor.u32 v3, v4  }
0x237: {  	v4 =	vperm.xlane v3, v0;
	_ =	sdelay $0x1  }
0x238: {  	v4 =	vadd.s32 v1, v4;
	_ =	sdelay $0x3  }
0x239: {  	s22 =	simm.s32 $0x10200  }
0x23a: {  	[tilespmem:s22], [sflag:$0x1] =	stream.indirect_vreg.gather [hbm4b:s3+s2], $0x80, v4, vm0, $0xb8;
	[tilespmem:$0x1A200] =	vst v63  }
0x23b: {  	v3 =	vperm.xlane v3, v2;
	s22 =	simm.s32 $0x10A00  }
0x23c: {  	[tilespmem:s22], [sflag:$0x1] =	stream.indirect_vreg.gather [hbm4b:s5+s2], $0x80, v4, vm0, $0xb8;
	[tilespmem:$0x1A200] =	vst v63  }
0x23d: {  	s23 =	simm.s32 $0x11200;
	v3 =	vadd.s32 v1, v3  }
0x23e: {  	[tilespmem:s23], [sflag:$0x1] =	stream.indirect_vreg.gather [hbm4b:s6+s2], $0x80, v4, vm0, $0xb8;
	[tilespmem:$0x1A200] =	vst v63  }
0x23f: {  	s24 =	simm.s32 $0x11A00  }
0x240: {  	[tilespmem:s24], [sflag:$0x1] =	stream.indirect_vreg.gather [hbm4b:s7+s2], $0x80, v4, vm0, $0xb8;
	[tilespmem:$0x1A200] =	vst v63  }
0x241: {  	s25 =	simm.s32 $0x12200  }
0x242: {  	[tilespmem:s25], [sflag:$0x1] =	stream.indirect_vreg.gather [hbm4b:s3+s2], $0x80, v3, vm0, $0xb8;
	[tilespmem:$0x1A200] =	vst v63  }
0x243: {  	s26 =	simm.s32 $0x12A00  }
0x244: {  	[tilespmem:s26], [sflag:$0x1] =	stream.indirect_vreg.gather [hbm4b:s5+s2], $0x80, v3, vm0, $0xb8;
	[tilespmem:$0x1A200] =	vst v63  }
0x245: {  	s28 =	simm.s32 $0x13200  }
0x246: {  	[tilespmem:s28], [sflag:$0x1] =	stream.indirect_vreg.gather [hbm4b:s6+s2], $0x80, v3, vm0, $0xb8;
	[tilespmem:$0x1A200] =	vst v63  }
0x247: {  	s28 =	simm.s32 $0x13A00  }
0x248: {  	[tilespmem:s28], [sflag:$0x1] =	stream.indirect_vreg.gather [hbm4b:s7+s2], $0x80, v3, vm0, $0xb8;
	[tilespmem:$0x1A200] =	vst v63  }
0x249: {  	v3 =	vld [tilespmem:$0x188];
	_ =	sdelay $0x4  }
0x24a: {  	v56 =	vshll.u32 v3, $0x3  }
0x24b: {  	v3 =	vand.u32 $0x7, v3;
	v4 =	vand.u32 $0xFFFFFFC0, v56  }
0x24c: {  	v3 =	vor.u32 v3, v4  }
0x24d: {  	v4 =	vperm.xlane v3, v0;
	_ =	sdelay $0x1  }
0x24e: {  	v4 =	vadd.s32 v1, v4;
	_ =	sdelay $0x3  }
0x24f: {  	s28 =	simm.s32 $0x14200  }
0x250: {  	[tilespmem:s28], [sflag:$0x1] =	stream.indirect_vreg.gather [hbm4b:s3+s2], $0x80, v4, vm0, $0xb8;
	[tilespmem:$0x1A200] =	vst v63  }
0x251: {  	v3 =	vperm.xlane v3, v2;
	s28 =	simm.s32 $0x14A00  }
0x252: {  	[tilespmem:s28], [sflag:$0x1] =	stream.indirect_vreg.gather [hbm4b:s5+s2], $0x80, v4, vm0, $0xb8;
	[tilespmem:$0x1A200] =	vst v63  }
0x253: {  	s29 =	simm.s32 $0x15200;
	v3 =	vadd.s32 v1, v3  }
0x254: {  	[tilespmem:s29], [sflag:$0x1] =	stream.indirect_vreg.gather [hbm4b:s6+s2], $0x80, v4, vm0, $0xb8;
	[tilespmem:$0x1A200] =	vst v63  }
0x255: {  	s30 =	simm.s32 $0x15A00  }
0x256: {  	[tilespmem:s30], [sflag:$0x1] =	stream.indirect_vreg.gather [hbm4b:s7+s2], $0x80, v4, vm0, $0xb8;
	[tilespmem:$0x1A200] =	vst v63  }
0x257: {  	s31 =	simm.s32 $0x16200  }
0x258: {  	[tilespmem:s31], [sflag:$0x1] =	stream.indirect_vreg.gather [hbm4b:s3+s2], $0x80, v3, vm0, $0xb8;
	[tilespmem:$0x1A200] =	vst v63  }
0x259: {  	s11 =	simm.s32 $0x16A00  }
0x25a: {  	[tilespmem:s11], [sflag:$0x1] =	stream.indirect_vreg.gather [hbm4b:s5+s2], $0x80, v3, vm0, $0xb8;
	[tilespmem:$0x1A200] =	vst v63  }
0x25b: {  	s13 =	simm.s32 $0x17200  }
0x25c: {  	[tilespmem:s13], [sflag:$0x1] =	stream.indirect_vreg.gather [hbm4b:s6+s2], $0x80, v3, vm0, $0xb8;
	[tilespmem:$0x1A200] =	vst v63  }
0x25d: {  	s13 =	simm.s32 $0x17A00  }
0x25e: {  	[tilespmem:s13], [sflag:$0x1] =	stream.indirect_vreg.gather [hbm4b:s7+s2], $0x80, v3, vm0, $0xb8;
	[tilespmem:$0x1A200] =	vst v63  }
0x25f: {  	v3 =	vld.msk [tilespmem:$0x198], $0xff;
	_ =	sdelay $0x4  }
0x260: {  	v57 =	vshll.u32 v3, $0x3  }
0x261: {  	v3 =	vand.u32 $0x7, v3;
	v4 =	vand.u32 $0xFFFFFFC0, v57  }
0x262: {  	v3 =	vor.u32 v3, v4  }
0x263: {  	v3 =	vperm.xlane v3, v0;
	_ =	sdelay $0x1  }
0x264: {  	v3 =	vadd.s32 v1, v3;
	_ =	sdelay $0x3  }
0x265: {  	s14 =	simm.s32 $0x18200  }
0x266: {  	[tilespmem:s14], [sflag:$0x1] =	stream.indirect_vreg.gather [hbm4b:s3+s2], $0x80, v3, vm0, $0xb8;
	[tilespmem:$0x1A200] =	vst v63  }
0x267: {  	s1 =	simm.s32 $0x18A00  }
0x268: {  	[tilespmem:s1], [sflag:$0x1] =	stream.indirect_vreg.gather [hbm4b:s5+s2], $0x80, v3, vm0, $0xb8;
	[tilespmem:$0x1A200] =	vst v63  }
0x269: {  	_ = 	snop  }
0x26a: {  	[tilespmem:s0], [sflag:$0x1] =	stream.indirect_vreg.gather [hbm4b:s6+s2], $0x80, v3, vm0, $0xb8;
	[tilespmem:$0x1A200] =	vst v63  }
0x26b: {  	s13 =	simm.s32 $0x19A00  }
0x26c: {  	[tilespmem:s13], [sflag:$0x1] =	stream.indirect_vreg.gather [hbm4b:s7+s2], $0x80, v3, vm0, $0xb8;
	[tilespmem:$0x1A200] =	vst v63  }
0x26d: {  	_ =	swait.ge [sflag:s12], $0x1A000  }
0x26e: {  	[sflag:s12] =	ssyncset.done $0x0  }
0x26f: {  	s0 =	simm.s32 $0x200;
	s14 =	rddreg [dreg:$0x6];
	[sflag:s12] =	ssyncadd.s32 $0xFFFE6000  }
0x270: {  	[hbm4b:s14+s2] =	stream.linear.scatter [tilespmem:s0], [sflag:$0x2], $0x1A000, $0x38;
	[tilespmem:$0x1A200] =	vst v63  }
0x271: {  	_ =	swait.ge [sflag:s9], $0x1A000  }
0x272: {  	[sflag:s9] =	ssyncset.done $0x0  }
0x273: {  	[sflag:s9] =	ssyncadd.s32 $0xFFFE6000  }
0x274: {  	v3 =	vld [tilespmem:$0x1A0];
	_ =	sdelay $0x4  }
0x275: {  	v58 =	vshll.u32 v3, $0x3  }
0x276: {  	v3 =	vand.u32 $0x7, v3;
	v4 =	vand.u32 $0xFFFFFFC0, v58  }
0x277: {  	v3 =	vor.u32 v3, v4  }
0x278: {  	v4 =	vperm.xlane v3, v0;
	_ =	sdelay $0x1  }
0x279: {  	v4 =	vadd.s32 v1, v4;
	_ =	sdelay $0x4  }
0x27a: {  	[tilespmem:s0], [sflag:$0x1] =	stream.indirect_vreg.gather [hbm4b:s3+s2], $0x80, v4, vm0, $0xb8;
	[tilespmem:$0x1A200] =	vst v63  }
0x27b: {  	s1 =	simm.s32 $0xA00;
	v3 =	vperm.xlane v3, v2  }
0x27c: {  	[tilespmem:s1], [sflag:$0x1] =	stream.indirect_vreg.gather [hbm4b:s5+s2], $0x80, v4, vm0, $0xb8;
	[tilespmem:$0x1A200] =	vst v63  }
0x27d: {  	s13 =	simm.s32 $0x1200;
	v3 =	vadd.s32 v1, v3  }
0x27e: {  	[tilespmem:s13], [sflag:$0x1] =	stream.indirect_vreg.gather [hbm4b:s6+s2], $0x80, v4, vm0, $0xb8;
	[tilespmem:$0x1A200] =	vst v63  }
0x27f: {  	s1 =	simm.s32 $0x1A00  }
0x280: {  	[tilespmem:s1], [sflag:$0x1] =	stream.indirect_vreg.gather [hbm4b:s7+s2], $0x80, v4, vm0, $0xb8;
	[tilespmem:$0x1A200] =	vst v63  }
0x281: {  	s13 =	simm.s32 $0x2200  }
0x282: {  	[tilespmem:s13], [sflag:$0x1] =	stream.indirect_vreg.gather [hbm4b:s3+s2], $0x80, v3, vm0, $0xb8;
	[tilespmem:$0x1A200] =	vst v63  }
0x283: {  	s1 =	simm.s32 $0x2A00  }
0x284: {  	[tilespmem:s1], [sflag:$0x1] =	stream.indirect_vreg.gather [hbm4b:s5+s2], $0x80, v3, vm0, $0xb8;
	[tilespmem:$0x1A200] =	vst v63  }
0x285: {  	s13 =	simm.s32 $0x3200  }
0x286: {  	[tilespmem:s13], [sflag:$0x1] =	stream.indirect_vreg.gather [hbm4b:s6+s2], $0x80, v3, vm0, $0xb8;
	[tilespmem:$0x1A200] =	vst v63  }
0x287: {  	s1 =	simm.s32 $0x3A00  }
0x288: {  	[tilespmem:s1], [sflag:$0x1] =	stream.indirect_vreg.gather [hbm4b:s7+s2], $0x80, v3, vm0, $0xb8;
	[tilespmem:$0x1A200] =	vst v63  }
0x289: {  	v3 =	vld [tilespmem:$0x1B0];
	_ =	sdelay $0x4  }
0x28a: {  	v59 =	vshll.u32 v3, $0x3  }
0x28b: {  	v3 =	vand.u32 $0x7, v3;
	v4 =	vand.u32 $0xFFFFFFC0, v59  }
0x28c: {  	v3 =	vor.u32 v3, v4  }
0x28d: {  	v4 =	vperm.xlane v3, v0;
	_ =	sdelay $0x1  }
0x28e: {  	v4 =	vadd.s32 v1, v4;
	_ =	sdelay $0x3  }
0x28f: {  	s13 =	simm.s32 $0x4200  }
0x290: {  	[tilespmem:s13], [sflag:$0x1] =	stream.indirect_vreg.gather [hbm4b:s3+s2], $0x80, v4, vm0, $0xb8;
	[tilespmem:$0x1A200] =	vst v63  }
0x291: {  	s1 =	simm.s32 $0x4A00;
	v3 =	vperm.xlane v3, v2  }
0x292: {  	[tilespmem:s1], [sflag:$0x1] =	stream.indirect_vreg.gather [hbm4b:s5+s2], $0x80, v4, vm0, $0xb8;
	[tilespmem:$0x1A200] =	vst v63  }
0x293: {  	v3 =	vadd.s32 v1, v3;
	s13 =	simm.s32 $0x5200  }
0x294: {  	[tilespmem:s13], [sflag:$0x1] =	stream.indirect_vreg.gather [hbm4b:s6+s2], $0x80, v4, vm0, $0xb8;
	[tilespmem:$0x1A200] =	vst v63  }
0x295: {  	s1 =	simm.s32 $0x5A00  }
0x296: {  	[tilespmem:s1], [sflag:$0x1] =	stream.indirect_vreg.gather [hbm4b:s7+s2], $0x80, v4, vm0, $0xb8;
	[tilespmem:$0x1A200] =	vst v63  }
0x297: {  	s13 =	simm.s32 $0x6200  }
0x298: {  	[tilespmem:s13], [sflag:$0x1] =	stream.indirect_vreg.gather [hbm4b:s3+s2], $0x80, v3, vm0, $0xb8;
	[tilespmem:$0x1A200] =	vst v63  }
0x299: {  	s1 =	simm.s32 $0x6A00  }
0x29a: {  	[tilespmem:s1], [sflag:$0x1] =	stream.indirect_vreg.gather [hbm4b:s5+s2], $0x80, v3, vm0, $0xb8;
	[tilespmem:$0x1A200] =	vst v63  }
0x29b: {  	s13 =	simm.s32 $0x7200  }
0x29c: {  	[tilespmem:s13], [sflag:$0x1] =	stream.indirect_vreg.gather [hbm4b:s6+s2], $0x80, v3, vm0, $0xb8;
	[tilespmem:$0x1A200] =	vst v63  }
0x29d: {  	s1 =	simm.s32 $0x7A00  }
0x29e: {  	[tilespmem:s1], [sflag:$0x1] =	stream.indirect_vreg.gather [hbm4b:s7+s2], $0x80, v3, vm0, $0xb8;
	[tilespmem:$0x1A200] =	vst v63  }
0x29f: {  	v3 =	vld [tilespmem:$0x1C0];
	_ =	sdelay $0x4  }
0x2a0: {  	v60 =	vshll.u32 v3, $0x3  }
0x2a1: {  	v3 =	vand.u32 $0x7, v3;
	v4 =	vand.u32 $0xFFFFFFC0, v60  }
0x2a2: {  	v3 =	vor.u32 v3, v4  }
0x2a3: {  	v4 =	vperm.xlane v3, v0;
	_ =	sdelay $0x1  }
0x2a4: {  	v4 =	vadd.s32 v1, v4;
	_ =	sdelay $0x3  }
0x2a5: {  	s13 =	simm.s32 $0x8200  }
0x2a6: {  	[tilespmem:s13], [sflag:$0x1] =	stream.indirect_vreg.gather [hbm4b:s3+s2], $0x80, v4, vm0, $0xb8;
	[tilespmem:$0x1A200] =	vst v63  }
0x2a7: {  	s1 =	simm.s32 $0x8A00;
	v3 =	vperm.xlane v3, v2  }
0x2a8: {  	[tilespmem:s1], [sflag:$0x1] =	stream.indirect_vreg.gather [hbm4b:s5+s2], $0x80, v4, vm0, $0xb8;
	[tilespmem:$0x1A200] =	vst v63  }
0x2a9: {  	s4 =	simm.s32 $0x9200;
	v3 =	vadd.s32 v1, v3  }
0x2aa: {  	[tilespmem:s4], [sflag:$0x1] =	stream.indirect_vreg.gather [hbm4b:s6+s2], $0x80, v4, vm0, $0xb8;
	[tilespmem:$0x1A200] =	vst v63  }
0x2ab: {  	s8 =	simm.s32 $0x9A00  }
0x2ac: {  	[tilespmem:s8], [sflag:$0x1] =	stream.indirect_vreg.gather [hbm4b:s7+s2], $0x80, v4, vm0, $0xb8;
	[tilespmem:$0x1A200] =	vst v63  }
0x2ad: {  	s15 =	simm.s32 $0xA200  }
0x2ae: {  	[tilespmem:s15], [sflag:$0x1] =	stream.indirect_vreg.gather [hbm4b:s3+s2], $0x80, v3, vm0, $0xb8;
	[tilespmem:$0x1A200] =	vst v63  }
0x2af: {  	s16 =	simm.s32 $0xAA00  }
0x2b0: {  	[tilespmem:s16], [sflag:$0x1] =	stream.indirect_vreg.gather [hbm4b:s5+s2], $0x80, v3, vm0, $0xb8;
	[tilespmem:$0x1A200] =	vst v63  }
0x2b1: {  	s10 =	simm.s32 $0xB200  }
0x2b2: {  	[tilespmem:s10], [sflag:$0x1] =	stream.indirect_vreg.gather [hbm4b:s6+s2], $0x80, v3, vm0, $0xb8;
	[tilespmem:$0x1A200] =	vst v63  }
0x2b3: {  	s13 =	simm.s32 $0xBA00  }
0x2b4: {  	[tilespmem:s13], [sflag:$0x1] =	stream.indirect_vreg.gather [hbm4b:s7+s2], $0x80, v3, vm0, $0xb8;
	[tilespmem:$0x1A200] =	vst v63  }
0x2b5: {  	v3 =	vld [tilespmem:$0x1D0];
	_ =	sdelay $0x4  }
0x2b6: {  	v61 =	vshll.u32 v3, $0x3  }
0x2b7: {  	v3 =	vand.u32 $0x7, v3;
	v4 =	vand.u32 $0xFFFFFFC0, v61  }
0x2b8: {  	v3 =	vor.u32 v3, v4  }
0x2b9: {  	v4 =	vperm.xlane v3, v0;
	_ =	sdelay $0x1  }
0x2ba: {  	v4 =	vadd.s32 v1, v4;
	_ =	sdelay $0x3  }
0x2bb: {  	s15 =	simm.s32 $0xC200  }
0x2bc: {  	[tilespmem:s15], [sflag:$0x1] =	stream.indirect_vreg.gather [hbm4b:s3+s2], $0x80, v4, vm0, $0xb8;
	[tilespmem:$0x1A200] =	vst v63  }
0x2bd: {  	s16 =	simm.s32 $0xCA00;
	v3 =	vperm.xlane v3, v2  }
0x2be: {  	[tilespmem:s16], [sflag:$0x1] =	stream.indirect_vreg.gather [hbm4b:s5+s2], $0x80, v4, vm0, $0xb8;
	[tilespmem:$0x1A200] =	vst v63  }
0x2bf: {  	s17 =	simm.s32 $0xD200;
	v3 =	vadd.s32 v1, v3  }
0x2c0: {  	[tilespmem:s17], [sflag:$0x1] =	stream.indirect_vreg.gather [hbm4b:s6+s2], $0x80, v4, vm0, $0xb8;
	[tilespmem:$0x1A200] =	vst v63  }
0x2c1: {  	s18 =	simm.s32 $0xDA00  }
0x2c2: {  	[tilespmem:s18], [sflag:$0x1] =	stream.indirect_vreg.gather [hbm4b:s7+s2], $0x80, v4, vm0, $0xb8;
	[tilespmem:$0x1A200] =	vst v63  }
0x2c3: {  	s19 =	simm.s32 $0xE200  }
0x2c4: {  	[tilespmem:s19], [sflag:$0x1] =	stream.indirect_vreg.gather [hbm4b:s3+s2], $0x80, v3, vm0, $0xb8;
	[tilespmem:$0x1A200] =	vst v63  }
0x2c5: {  	s20 =	simm.s32 $0xEA00  }
0x2c6: {  	[tilespmem:s20], [sflag:$0x1] =	stream.indirect_vreg.gather [hbm4b:s5+s2], $0x80, v3, vm0, $0xb8;
	[tilespmem:$0x1A200] =	vst v63  }
0x2c7: {  	s21 =	simm.s32 $0xF200  }
0x2c8: {  	[tilespmem:s21], [sflag:$0x1] =	stream.indirect_vreg.gather [hbm4b:s6+s2], $0x80, v3, vm0, $0xb8;
	[tilespmem:$0x1A200] =	vst v63  }
0x2c9: {  	s19 =	simm.s32 $0xFA00  }
0x2ca: {  	[tilespmem:s19], [sflag:$0x1] =	stream.indirect_vreg.gather [hbm4b:s7+s2], $0x80, v3, vm0, $0xb8;
	[tilespmem:$0x1A200] =	vst v63  }
0x2cb: {  	v3 =	vld [tilespmem:$0x1E0];
	_ =	sdelay $0x4  }
0x2cc: {  	v62 =	vshll.u32 v3, $0x3  }
0x2cd: {  	v3 =	vand.u32 $0x7, v3;
	v4 =	vand.u32 $0xFFFFFFC0, v62  }
0x2ce: {  	v3 =	vor.u32 v3, v4  }
0x2cf: {  	v4 =	vperm.xlane v3, v0;
	_ =	sdelay $0x1  }
0x2d0: {  	v4 =	vadd.s32 v1, v4;
	_ =	sdelay $0x3  }
0x2d1: {  	s20 =	simm.s32 $0x10200  }
0x2d2: {  	[tilespmem:s20], [sflag:$0x1] =	stream.indirect_vreg.gather [hbm4b:s3+s2], $0x80, v4, vm0, $0xb8;
	[tilespmem:$0x1A200] =	vst v63  }
0x2d3: {  	s21 =	simm.s32 $0x10A00;
	v3 =	vperm.xlane v3, v2  }
0x2d4: {  	[tilespmem:s21], [sflag:$0x1] =	stream.indirect_vreg.gather [hbm4b:s5+s2], $0x80, v4, vm0, $0xb8;
	[tilespmem:$0x1A200] =	vst v63  }
0x2d5: {  	s22 =	simm.s32 $0x11200;
	v3 =	vadd.s32 v1, v3  }
0x2d6: {  	[tilespmem:s22], [sflag:$0x1] =	stream.indirect_vreg.gather [hbm4b:s6+s2], $0x80, v4, vm0, $0xb8;
	[tilespmem:$0x1A200] =	vst v63  }
0x2d7: {  	s23 =	simm.s32 $0x11A00  }
0x2d8: {  	[tilespmem:s23], [sflag:$0x1] =	stream.indirect_vreg.gather [hbm4b:s7+s2], $0x80, v4, vm0, $0xb8;
	[tilespmem:$0x1A200] =	vst v63  }
0x2d9: {  	s24 =	simm.s32 $0x12200  }
0x2da: {  	[tilespmem:s24], [sflag:$0x1] =	stream.indirect_vreg.gather [hbm4b:s3+s2], $0x80, v3, vm0, $0xb8;
	[tilespmem:$0x1A200] =	vst v63  }
0x2db: {  	s25 =	simm.s32 $0x12A00  }
0x2dc: {  	[tilespmem:s25], [sflag:$0x1] =	stream.indirect_vreg.gather [hbm4b:s5+s2], $0x80, v3, vm0, $0xb8;
	[tilespmem:$0x1A200] =	vst v63  }
0x2dd: {  	s26 =	simm.s32 $0x13200  }
0x2de: {  	[tilespmem:s26], [sflag:$0x1] =	stream.indirect_vreg.gather [hbm4b:s6+s2], $0x80, v3, vm0, $0xb8;
	[tilespmem:$0x1A200] =	vst v63  }
0x2df: {  	s24 =	simm.s32 $0x13A00  }
0x2e0: {  	[tilespmem:s24], [sflag:$0x1] =	stream.indirect_vreg.gather [hbm4b:s7+s2], $0x80, v3, vm0, $0xb8;
	[tilespmem:$0x1A200] =	vst v63  }
0x2e1: {  	v3 =	vld [tilespmem:$0x1F0];
	_ =	sdelay $0x4  }
0x2e2: {  	v63 =	vshll.u32 v3, $0x3  }
0x2e3: {  	v3 =	vand.u32 $0x7, v3;
	v4 =	vand.u32 $0xFFFFFFC0, v63  }
0x2e4: {  	v3 =	vor.u32 v3, v4  }
0x2e5: {  	v4 =	vperm.xlane v3, v0;
	_ =	sdelay $0x1  }
0x2e6: {  	v4 =	vadd.s32 v1, v4;
	_ =	sdelay $0x3  }
0x2e7: {  	s25 =	simm.s32 $0x14200  }
0x2e8: {  	[tilespmem:s25], [sflag:$0x1] =	stream.indirect_vreg.gather [hbm4b:s3+s2], $0x80, v4, vm0, $0xb8;
	[tilespmem:$0x1A200] =	vst v63  }
0x2e9: {  	s26 =	simm.s32 $0x14A00;
	v3 =	vperm.xlane v3, v2  }
0x2ea: {  	[tilespmem:s26], [sflag:$0x1] =	stream.indirect_vreg.gather [hbm4b:s5+s2], $0x80, v4, vm0, $0xb8;
	[tilespmem:$0x1A200] =	vst v63  }
0x2eb: {  	s28 =	simm.s32 $0x15200;
	v3 =	vadd.s32 v1, v3  }
0x2ec: {  	[tilespmem:s28], [sflag:$0x1] =	stream.indirect_vreg.gather [hbm4b:s6+s2], $0x80, v4, vm0, $0xb8;
	[tilespmem:$0x1A200] =	vst v63  }
0x2ed: {  	s29 =	simm.s32 $0x15A00  }
0x2ee: {  	[tilespmem:s29], [sflag:$0x1] =	stream.indirect_vreg.gather [hbm4b:s7+s2], $0x80, v4, vm0, $0xb8;
	[tilespmem:$0x1A200] =	vst v63  }
0x2ef: {  	s30 =	simm.s32 $0x16200  }
0x2f0: {  	[tilespmem:s30], [sflag:$0x1] =	stream.indirect_vreg.gather [hbm4b:s3+s2], $0x80, v3, vm0, $0xb8;
	[tilespmem:$0x1A200] =	vst v63  }
0x2f1: {  	s31 =	simm.s32 $0x16A00  }
0x2f2: {  	[tilespmem:s31], [sflag:$0x1] =	stream.indirect_vreg.gather [hbm4b:s5+s2], $0x80, v3, vm0, $0xb8;
	[tilespmem:$0x1A200] =	vst v63  }
0x2f3: {  	s11 =	simm.s32 $0x17200  }
0x2f4: {  	[tilespmem:s11], [sflag:$0x1] =	stream.indirect_vreg.gather [hbm4b:s6+s2], $0x80, v3, vm0, $0xb8;
	[tilespmem:$0x1A200] =	vst v63  }
0x2f5: {  	s30 =	simm.s32 $0x17A00  }
0x2f6: {  	[tilespmem:s30], [sflag:$0x1] =	stream.indirect_vreg.gather [hbm4b:s7+s2], $0x80, v3, vm0, $0xb8;
	[tilespmem:$0x1A200] =	vst v63  }
0x2f7: {  	s8 =	rddreg [dreg:$0x9];
	_ =	swait.ge [sflag:s12], $0x18000  }
0x2f8: {  	s14 =	simm.s32 $0x200;
	p0 =	sne.s32 s8, $0x1;
	[sflag:s12] =	ssyncset.done $0x0  }
.Ltmp0:
0x2f9: {  	s31 =	rddreg [dreg:$0x7];
	[sflag:s12] =	ssyncadd.s32 $0xFFFE8000;
	(pc) =	sbr.rel @p0 .LBB2_1-.Ltmp0, $4  }
0x2fa: {  	[hbm4b:s31+s2] =	stream.linear.scatter [tilespmem:s14], [sflag:$0x2], $0x18000, $0x38;
	[tilespmem:$0x1A200] =	vst v63  }
0x2fb: {  	_ =	swait.ge [sflag:s9], $0x18000  }
0x2fc: {  	[sflag:s9] =	ssyncset.done $0x0  }
0x2fd: {  	s0 =	sadd.s32 $0xFFFFFFFF, s8;
	[sflag:s9] =	ssyncadd.s32 $0xFFFE8000  }
0x2fe: {  	_ =	sfence.sel $0x180000  }
0x2ff: {  	[bflag:$0x0] =	sbarrier.arrive $0xFFFF  }
0x300: {  	_ =	strace $0x90000047  }
0x301: {  	s0 =	stileid.u32;
	[bflag:$0x2] =	sbarrier.arrive $0xFFFF  }
0x302: {  	p0 =	sne.s32 s0, $0x0;
	s0 =	rddreg [dreg:$0x2]  }
0x303: {  	s0 =	sadd.s32 @!p0 $0x100000, s0  }
0x304: {  	[sflag:s0] =	ssyncadd.tile.s32 @!p0 $0x1;
	_ =	shalt  }
.Lfunc_end2:
_tile_overlayer_lowered:
.L_overlay_start_2:
0x305: {  	(tag) =	ssettag $0x2  }
0x306: {  	s0 =	rddreg [dreg:$0x0];
	s2 =	stileid.u32  }
0x307: {  	s1 =	rddreg [dreg:$0x1];
	p0 =	sne.s32 s2, $0x0  }
0x308: {  	s3 =	rddreg [dreg:$0x2];
	[bflag:$0x3] =	sbarrier.arrive $0xFFFF;
	s2 =	simm.s32 @!p0 $0x1C02  }
0x309: {  	[timem:s3], [sflag:s2] =	dma.local @!p0 [hbm:s0], s1  }
0x30a: {  	s0 =	simm.s32 @!p0 $0x2  }
0x30b: {  	_ =	swait.ge @!p0 [sflag:s0], s1  }
0x30c: {  	s1 =	ssub.s32 @!p0 $0x0, s1;
	[sflag:s0] =	ssyncset.done @!p0 $0x0  }
0x30d: {  	[sflag:s0] =	ssyncadd.s32 @!p0 s1  }
0x30e: {  	[bflag:$0x3] =	sbarrier.arrive $0xFFFF  }
0x30f: {  	_ =	shalt  }

</sc_bundles>
